<compile_context>
chip_gen: v7x
topology: tpu7x:2x2x1
jax: 0.10.2.dev20260603
libtpu: 0.0.44.dev20260713+nightly
codegen_flags: <defaults>
</compile_context>

<pallas_src>
import functools

import jax
import jax.numpy as jnp
from jax import lax
from jax.experimental import pallas as pl
from jax.experimental.pallas import tpu as pltpu
from jax.experimental.pallas import tpu_sc as plsc

VOCAB = 30522
HIDDEN = 768
BATCH = 64
SEQ = 512
EPS = 1e-12

NC = 2
NS = 16
NW = NC * NS
PPW = SEQ // NW
CHUNKS = (8, 56)


def _sc_gather_body(bc, ids_w, wemb, g,
                    idx_v, b0, b1, b2, b3,
                    g0, g1, g2, g3, s0, s1, s2, s3):
    c = lax.axis_index("c")
    s = lax.axis_index("s")
    w = s * NC + c

    pltpu.sync_copy(ids_w.at[w], idx_v)

    bufs = [b0, b1, b2, b3]
    gsems = [g0, g1, g2, g3]
    ssems = [s0, s1, s2, s3]

    def gather(b, k):
        pltpu.async_copy(wemb.at[idx_v.at[pl.ds(b * PPW, PPW)]],
                         bufs[k], gsems[k])

    def step(i, b, k):
        kn = (k + 2) % 4
        pltpu.make_async_copy(wemb.at[pl.ds(0, PPW)], bufs[k], gsems[k]).wait()
        pltpu.async_copy(bufs[k], g.at[b, pl.ds(w * PPW, PPW)], ssems[k])

        @pl.when(b >= 2)
        def _():
            pltpu.make_async_copy(
                bufs[kn], g.at[0, pl.ds(w * PPW, PPW)], ssems[kn]).wait()

        @pl.when(b + 2 < bc)
        def _():
            gather(b + 2, kn)

    gather(0, 0)
    gather(1, 1)

    def loop_body(i, carry):
        step(i, 4 * i, 0)
        step(i, 4 * i + 1, 1)
        step(i, 4 * i + 2, 2)
        step(i, 4 * i + 3, 3)
        return carry

    lax.fori_loop(0, bc // 4, loop_body, 0)

    pltpu.make_async_copy(b2, g.at[0, pl.ds(w * PPW, PPW)], s2).wait()
    pltpu.make_async_copy(b3, g.at[0, pl.ds(w * PPW, PPW)], s3).wait()


def _sc_gather(ids_wc, word_emb, bc):
    kern = pl.kernel(
        functools.partial(_sc_gather_body, bc),
        out_type=jax.ShapeDtypeStruct((bc, SEQ, HIDDEN), jnp.float32),
        mesh=plsc.VectorSubcoreMesh(core_axis_name="c", subcore_axis_name="s"),
        scratch_types=[
            pltpu.VMEM((bc * PPW,), jnp.int32),
            pltpu.VMEM((PPW, HIDDEN), jnp.float32),
            pltpu.VMEM((PPW, HIDDEN), jnp.float32),
            pltpu.VMEM((PPW, HIDDEN), jnp.float32),
            pltpu.VMEM((PPW, HIDDEN), jnp.float32),
            pltpu.SemaphoreType.DMA,
            pltpu.SemaphoreType.DMA,
            pltpu.SemaphoreType.DMA,
            pltpu.SemaphoreType.DMA,
            pltpu.SemaphoreType.DMA,
            pltpu.SemaphoreType.DMA,
            pltpu.SemaphoreType.DMA,
            pltpu.SemaphoreType.DMA,
        ],
    )
    return kern(ids_wc, word_emb)


def _ln_block(g_ref, pos_ref, gam_ref, bet_ref, *rest):
    out_ref = rest[-1]
    x = g_ref[...] + pos_ref[...][None]
    mean = jnp.mean(x, axis=-1, keepdims=True)
    cx = x - mean
    var = jnp.mean(cx * cx, axis=-1, keepdims=True)
    y = cx * lax.rsqrt(var + EPS)
    out_ref[...] = y * gam_ref[...][None] + bet_ref[...][None]


TB = 4


def _tc_ln(g, pos, gam2, bet2, prev, chunk_off, bc):
    ins = [g, pos, gam2, bet2]
    in_specs = [
        pl.BlockSpec((TB, SEQ, HIDDEN), lambda b: (b, 0, 0)),
        pl.BlockSpec((SEQ, HIDDEN), lambda b: (0, 0)),
        pl.BlockSpec((1, HIDDEN), lambda b: (0, 0)),
        pl.BlockSpec((1, HIDDEN), lambda b: (0, 0)),
    ]
    aliases = {}
    if prev is not None:
        ins.append(prev)
        in_specs.append(pl.BlockSpec(memory_space=pltpu.MemorySpace.HBM))
        aliases = {4: 0}
    off = chunk_off // TB
    return pl.pallas_call(
        _ln_block,
        grid=(bc // TB,),
        in_specs=in_specs,
        out_specs=pl.BlockSpec(
            (TB, SEQ, HIDDEN), lambda b, _o=off: (b + _o, 0, 0)),
        out_shape=jax.ShapeDtypeStruct((BATCH, SEQ, HIDDEN), jnp.float32),
        input_output_aliases=aliases,
    )(*ins)


@jax.jit
def _run(word_emb, pos_emb, gam2, bet2, *ids_chunks):
    out = None
    off = 0
    for ids_wc, bc in zip(ids_chunks, CHUNKS):
        g = _sc_gather(ids_wc, word_emb, bc)
        out = _tc_ln(g, pos_emb, gam2, bet2, out, off, bc)
        off += bc
    return out


def kernel(input_ids, word_emb, pos_emb, ln_gamma, ln_beta):
    ids_chunks = []
    off = 0
    for bc in CHUNKS:
        ids_chunks.append(
            input_ids[off:off + bc]
            .reshape(bc, NW, PPW)
            .transpose(1, 0, 2)
            .reshape(NW, bc * PPW)
        )
        off += bc
    return _run(word_emb, pos_emb,
                ln_gamma.reshape(1, HIDDEN), ln_beta.reshape(1, HIDDEN),
                *ids_chunks)

# --- scband reference (transcript-rebuilt; emitter-appended) ---
"""Pipeline reference for scband-distil-bert-embeddings-82205674046025 (READ-ONLY COPY).

The authoritative reference and input builder live on the scoring server;
editing this copy changes nothing except your own understanding.
"""

import jax, jax.numpy as jnp
import numpy as np

VOCAB = 30522
HIDDEN = 768
MAX_POS = 512
BATCH = 64
SEQ = 512
EPS = 1e-12


def setup_inputs(seed: int = 0) -> dict:
    key = jax.random.key(seed)
    k1, k2, k3 = jax.random.split(key, 3)
    input_ids = jax.random.randint(k1, (BATCH, SEQ), 0, VOCAB, dtype=jnp.int64 if jax.config.jax_enable_x64 else jnp.int32).astype(jnp.int32)
    word_emb = jax.random.normal(k2, (VOCAB, HIDDEN), dtype=jnp.float32) * 0.02
    # padding_idx=0 row zeroed, matching nn.Embedding(padding_idx=0)
    word_emb = word_emb.at[0].set(0.0)
    pos_emb = jax.random.normal(k3, (MAX_POS, HIDDEN), dtype=jnp.float32) * 0.02
    ln_gamma = jnp.ones((HIDDEN,), dtype=jnp.float32)
    ln_beta = jnp.zeros((HIDDEN,), dtype=jnp.float32)
    return {
        "input_ids": input_ids,
        "word_emb": word_emb,
        "pos_emb": pos_emb,
        "ln_gamma": ln_gamma,
        "ln_beta": ln_beta,
    }


def _layer_norm(x, gamma, beta, eps=EPS):
    mean = jnp.mean(x, axis=-1, keepdims=True)
    var = jnp.mean(jnp.square(x - mean), axis=-1, keepdims=True)
    return (x - mean) / jnp.sqrt(var + eps) * gamma + beta


def reference(input_ids, word_emb, pos_emb, ln_gamma, ln_beta):
    # word embedding lookup (gather)
    input_embeds = jnp.take(word_emb, input_ids, axis=0)  # [B, S, H]
    seq_length = input_embeds.shape[1]
    position_ids = jnp.arange(seq_length)  # position_ids buffer sliced
    position_embeddings = jnp.take(pos_emb, position_ids, axis=0)  # [S, H]
    embeddings = input_embeds + position_embeddings[None, :, :]
    embeddings = _layer_norm(embeddings, ln_gamma, ln_beta)
    # dropout is identity in eval mode
    return embeddings

if __name__ == "__main__":
    import jax
    _d = setup_inputs()
    print(jax.jit(kernel)(*tuple(_d.values())))

</pallas_src>

<mosaic_0001>
#map = affine_map<(d0, d1) -> (0, 0)>
#map1 = affine_map<(d0, d1) -> (0, 0, 0)>
module attributes {stable_mosaic.version = 14 : i64} {
  func.func @_sc_gather_body(%arg0: i32, %arg1: i32, %arg2: memref<32x896xi32, #tpu.memory_space<hbm>>, %arg3: memref<30522x768xf32, #tpu.memory_space<hbm>>, %arg4: memref<56x512x768xf32, #tpu.memory_space<hbm>>, %arg5: memref<896xi32, #tpu.memory_space<vmem>>, %arg6: memref<16x768xf32, #tpu.memory_space<vmem>>, %arg7: memref<16x768xf32, #tpu.memory_space<vmem>>, %arg8: memref<16x768xf32, #tpu.memory_space<vmem>>, %arg9: memref<16x768xf32, #tpu.memory_space<vmem>>, %arg10: memref<!tpu.dma_semaphore, #tpu.memory_space<semaphore_mem>>, %arg11: memref<!tpu.dma_semaphore, #tpu.memory_space<semaphore_mem>>, %arg12: memref<!tpu.dma_semaphore, #tpu.memory_space<semaphore_mem>>, %arg13: memref<!tpu.dma_semaphore, #tpu.memory_space<semaphore_mem>>, %arg14: memref<!tpu.dma_semaphore, #tpu.memory_space<semaphore_mem>>, %arg15: memref<!tpu.dma_semaphore, #tpu.memory_space<semaphore_mem>>, %arg16: memref<!tpu.dma_semaphore, #tpu.memory_space<semaphore_mem>>, %arg17: memref<!tpu.dma_semaphore, #tpu.memory_space<semaphore_mem>>) attributes {dimension_semantics = [#tpu.dimension_semantics<core_parallel>, #tpu.dimension_semantics<subcore_parallel>], iteration_bounds = array<i64: 2, 16>, scalar_prefetch = 0 : i64, scratch_operands = 13 : i64, tpu.core_type = #tpu.core_type<sc_vector_subcore>, window_params = [{transform_indices = #map}, {transform_indices = #map}, {transform_indices = #map1}]} {
    %mul3A = arith.constant 2 : i32
    %mul3A_0 = arith.muli %arg1, %mul3A : i32
    %add3A = arith.addi %mul3A_0, %arg0 : i32
    "tpu.region"() ({
      %run_scoped3A = tpu.sem_alloc : memref<!tpu.dma_semaphore, #tpu.memory_space<semaphore_mem>>
      %dma_start3A_32 = arith.constant 0 : i32
      %dma_start3A_33 = tpu.memref_slice %arg2[%add3A, %dma_start3A_32] : memref<32x896xi32, #tpu.memory_space<hbm>> -> memref<1x896xi32, #tpu.memory_space<hbm>>
      %dma_start3A_34 = tpu.memref_squeeze %dma_start3A_33 : memref<1x896xi32, #tpu.memory_space<hbm>> -> memref<896xi32, #tpu.memory_space<hbm>>
      %dma_start3A_35 = arith.constant 0 : i32
      %dma_start3A_36 = tpu.memref_slice %arg2[%add3A, %dma_start3A_35] : memref<32x896xi32, #tpu.memory_space<hbm>> -> memref<1x896xi32, #tpu.memory_space<hbm>>
      %dma_start3A_37 = tpu.memref_squeeze %dma_start3A_36 : memref<1x896xi32, #tpu.memory_space<hbm>> -> memref<896xi32, #tpu.memory_space<hbm>>
      tpu.enqueue_dma source(%dma_start3A_37 : memref<896xi32, #tpu.memory_space<hbm>>) target(%arg5 : memref<896xi32, #tpu.memory_space<vmem>>) target_semaphore(%run_scoped3A : memref<!tpu.dma_semaphore, #tpu.memory_space<semaphore_mem>>)
      %dma_wait3A_38 = arith.constant 0 : i32
      %dma_wait3A_39 = tpu.memref_slice %arg2[%add3A, %dma_wait3A_38] : memref<32x896xi32, #tpu.memory_space<hbm>> -> memref<1x896xi32, #tpu.memory_space<hbm>>
      %dma_wait3A_40 = tpu.memref_squeeze %dma_wait3A_39 : memref<1x896xi32, #tpu.memory_space<hbm>> -> memref<896xi32, #tpu.memory_space<hbm>>
      %dma_wait3A_41 = arith.constant 0 : i32
      %dma_wait3A_42 = tpu.memref_slice %arg2[%add3A, %dma_wait3A_41] : memref<32x896xi32, #tpu.memory_space<hbm>> -> memref<1x896xi32, #tpu.memory_space<hbm>>
      %dma_wait3A_43 = tpu.memref_squeeze %dma_wait3A_42 : memref<1x896xi32, #tpu.memory_space<hbm>> -> memref<896xi32, #tpu.memory_space<hbm>>
      tpu.wait_dma2 semaphore(%run_scoped3A : memref<!tpu.dma_semaphore, #tpu.memory_space<semaphore_mem>>) src(%dma_wait3A_43 : memref<896xi32, #tpu.memory_space<hbm>>) dst(%arg5 : memref<896xi32, #tpu.memory_space<vmem>>)
      tpu.yield
    }) : () -> ()
    %dma_start3A = arith.constant 0 : i32
    %dma_start3A_1 = tpu.memref_slice %arg5[%dma_start3A] : memref<896xi32, #tpu.memory_space<vmem>> -> memref<16xi32, #tpu.memory_space<vmem>>
    %dma_start3A_2 = arith.constant 0 : i32
    %dma_start3A_3 = arith.constant 0 : i32
    %dma_start3A_4 = tpu.memref_slice %arg3[%dma_start3A_2, %dma_start3A_3] : memref<30522x768xf32, #tpu.memory_space<hbm>> -> memref<30522x768xf32, #tpu.memory_space<hbm>>
    tpu.enqueue_indirect_dma source(%dma_start3A_4 : memref<30522x768xf32, #tpu.memory_space<hbm>>) target(%arg6 : memref<16x768xf32, #tpu.memory_space<vmem>>) offsets(%dma_start3A_1 : memref<16xi32, #tpu.memory_space<vmem>>) semaphore(%arg10 : memref<!tpu.dma_semaphore, #tpu.memory_space<semaphore_mem>>)
    %dma_start3A_5 = arith.constant 16 : i32
    %dma_start3A_6 = tpu.memref_slice %arg5[%dma_start3A_5] : memref<896xi32, #tpu.memory_space<vmem>> -> memref<16xi32, #tpu.memory_space<vmem>>
    %dma_start3A_7 = arith.constant 0 : i32
    %dma_start3A_8 = arith.constant 0 : i32
    %dma_start3A_9 = tpu.memref_slice %arg3[%dma_start3A_7, %dma_start3A_8] : memref<30522x768xf32, #tpu.memory_space<hbm>> -> memref<30522x768xf32, #tpu.memory_space<hbm>>
    tpu.enqueue_indirect_dma source(%dma_start3A_9 : memref<30522x768xf32, #tpu.memory_space<hbm>>) target(%arg7 : memref<16x768xf32, #tpu.memory_space<vmem>>) offsets(%dma_start3A_6 : memref<16xi32, #tpu.memory_space<vmem>>) semaphore(%arg11 : memref<!tpu.dma_semaphore, #tpu.memory_space<semaphore_mem>>)
    %scan3A = arith.constant 0 : i32
    %scan3A_10 = arith.constant 0 : i32
    %scan3A_11 = arith.constant 14 : i32
    %scan3A_12 = arith.addi %scan3A_10, %scan3A_11 : i32
    %scan3A_13 = arith.constant 1 : i32
    scf.for %scan3A_32 = %scan3A_10 to %scan3A_12 step %scan3A_13  : i32 {
      %mul3A_33 = arith.constant 4 : i32
      %mul3A_34 = arith.muli %mul3A_33, %scan3A_32 : i32
      %dma_wait3A_35 = arith.constant 0 : i32
      %dma_wait3A_36 = arith.constant 0 : i32
      %dma_wait3A_37 = tpu.memref_slice %arg3[%dma_wait3A_35, %dma_wait3A_36] : memref<30522x768xf32, #tpu.memory_space<hbm>> -> memref<16x768xf32, #tpu.memory_space<hbm>>
      %dma_wait3A_38 = arith.constant 0 : i32
      %dma_wait3A_39 = arith.constant 0 : i32
      %dma_wait3A_40 = tpu.memref_slice %arg3[%dma_wait3A_38, %dma_wait3A_39] : memref<30522x768xf32, #tpu.memory_space<hbm>> -> memref<16x768xf32, #tpu.memory_space<hbm>>
      tpu.wait_dma2 semaphore(%arg10 : memref<!tpu.dma_semaphore, #tpu.memory_space<semaphore_mem>>) src(%dma_wait3A_40 : memref<16x768xf32, #tpu.memory_space<hbm>>) dst(%arg6 : memref<16x768xf32, #tpu.memory_space<vmem>>)
      %mul3A_41 = arith.constant 16 : i32
      %mul3A_42 = arith.muli %add3A, %mul3A_41 : i32
      %dma_start3A_43 = arith.constant 0 : i32
      %dma_start3A_44 = tpu.memref_slice %arg4[%mul3A_34, %mul3A_42, %dma_start3A_43] : memref<56x512x768xf32, #tpu.memory_space<hbm>> -> memref<1x16x768xf32, #tpu.memory_space<hbm>>
      %dma_start3A_45 = tpu.memref_squeeze %dma_start3A_44 : memref<1x16x768xf32, #tpu.memory_space<hbm>> -> memref<16x768xf32, #tpu.memory_space<hbm>>
      %dma_start3A_46 = arith.constant 0 : i32
      %dma_start3A_47 = tpu.memref_slice %arg4[%mul3A_34, %mul3A_42, %dma_start3A_46] : memref<56x512x768xf32, #tpu.memory_space<hbm>> -> memref<1x16x768xf32, #tpu.memory_space<hbm>>
      %dma_start3A_48 = tpu.memref_squeeze %dma_start3A_47 : memref<1x16x768xf32, #tpu.memory_space<hbm>> -> memref<16x768xf32, #tpu.memory_space<hbm>>
      tpu.enqueue_dma source(%arg6 : memref<16x768xf32, #tpu.memory_space<vmem>>) target(%dma_start3A_48 : memref<16x768xf32, #tpu.memory_space<hbm>>) target_semaphore(%arg14 : memref<!tpu.dma_semaphore, #tpu.memory_space<semaphore_mem>>)
      %ge3A = arith.constant 2 : i32
      %ge3A_49 = arith.cmpi sge, %mul3A_34, %ge3A : i32
      %convert_element_type3A = arith.extui %ge3A_49 : i1 to i32
      %cond3A = arith.constant 0 : i32
      %cond3A_50 = arith.cmpi ne, %convert_element_type3A, %cond3A : i32
      scf.if %cond3A_50 {
        %mul3A_147 = arith.constant 16 : i32
        %mul3A_148 = arith.muli %add3A, %mul3A_147 : i32
        %dma_wait3A_149 = arith.constant 0 : i32
        %dma_wait3A_150 = arith.constant 0 : i32
        %dma_wait3A_151 = tpu.memref_slice %arg4[%dma_wait3A_149, %mul3A_148, %dma_wait3A_150] : memref<56x512x768xf32, #tpu.memory_space<hbm>> -> memref<1x16x768xf32, #tpu.memory_space<hbm>>
        %dma_wait3A_152 = tpu.memref_squeeze %dma_wait3A_151 : memref<1x16x768xf32, #tpu.memory_space<hbm>> -> memref<16x768xf32, #tpu.memory_space<hbm>>
        %dma_wait3A_153 = arith.constant 0 : i32
        %dma_wait3A_154 = tpu.memref_slice %arg4[%dma_wait3A_149, %mul3A_148, %dma_wait3A_153] : memref<56x512x768xf32, #tpu.memory_space<hbm>> -> memref<1x16x768xf32, #tpu.memory_space<hbm>>
        %dma_wait3A_155 = tpu.memref_squeeze %dma_wait3A_154 : memref<1x16x768xf32, #tpu.memory_space<hbm>> -> memref<16x768xf32, #tpu.memory_space<hbm>>
        tpu.wait_dma2 semaphore(%arg16 : memref<!tpu.dma_semaphore, #tpu.memory_space<semaphore_mem>>) src(%arg8 : memref<16x768xf32, #tpu.memory_space<vmem>>) dst(%dma_wait3A_155 : memref<16x768xf32, #tpu.memory_space<hbm>>)
      } else {
      }
      %add3A_51 = arith.constant 2 : i32
      %add3A_52 = arith.addi %mul3A_34, %add3A_51 : i32
      %lt3A = arith.constant 56 : i32
      %lt3A_53 = arith.cmpi slt, %add3A_52, %lt3A : i32
      %convert_element_type3A_54 = arith.extui %lt3A_53 : i1 to i32
      %cond3A_55 = arith.constant 0 : i32
      %cond3A_56 = arith.cmpi ne, %convert_element_type3A_54, %cond3A_55 : i32
      scf.if %cond3A_56 {
        %add3A_147 = arith.constant 2 : i32
        %add3A_148 = arith.addi %mul3A_34, %add3A_147 : i32
        %mul3A_149 = arith.constant 16 : i32
        %mul3A_150 = arith.muli %add3A_148, %mul3A_149 : i32
        %dma_start3A_151 = tpu.memref_slice %arg5[%mul3A_150] : memref<896xi32, #tpu.memory_space<vmem>> -> memref<16xi32, #tpu.memory_space<vmem>>
        %dma_start3A_152 = arith.constant 0 : i32
        %dma_start3A_153 = arith.constant 0 : i32
        %dma_start3A_154 = tpu.memref_slice %arg3[%dma_start3A_152, %dma_start3A_153] : memref<30522x768xf32, #tpu.memory_space<hbm>> -> memref<30522x768xf32, #tpu.memory_space<hbm>>
        tpu.enqueue_indirect_dma source(%dma_start3A_154 : memref<30522x768xf32, #tpu.memory_space<hbm>>) target(%arg8 : memref<16x768xf32, #tpu.memory_space<vmem>>) offsets(%dma_start3A_151 : memref<16xi32, #tpu.memory_space<vmem>>) semaphore(%arg12 : memref<!tpu.dma_semaphore, #tpu.memory_space<semaphore_mem>>)
      } else {
      }
      %mul3A_57 = arith.constant 4 : i32
      %mul3A_58 = arith.muli %mul3A_57, %scan3A_32 : i32
      %add3A_59 = arith.constant 1 : i32
      %add3A_60 = arith.addi %mul3A_58, %add3A_59 : i32
      %dma_wait3A_61 = arith.constant 0 : i32
      %dma_wait3A_62 = arith.constant 0 : i32
      %dma_wait3A_63 = tpu.memref_slice %arg3[%dma_wait3A_61, %dma_wait3A_62] : memref<30522x768xf32, #tpu.memory_space<hbm>> -> memref<16x768xf32, #tpu.memory_space<hbm>>
      %dma_wait3A_64 = arith.constant 0 : i32
      %dma_wait3A_65 = arith.constant 0 : i32
      %dma_wait3A_66 = tpu.memref_slice %arg3[%dma_wait3A_64, %dma_wait3A_65] : memref<30522x768xf32, #tpu.memory_space<hbm>> -> memref<16x768xf32, #tpu.memory_space<hbm>>
      tpu.wait_dma2 semaphore(%arg11 : memref<!tpu.dma_semaphore, #tpu.memory_space<semaphore_mem>>) src(%dma_wait3A_66 : memref<16x768xf32, #tpu.memory_space<hbm>>) dst(%arg7 : memref<16x768xf32, #tpu.memory_space<vmem>>)
      %mul3A_67 = arith.constant 16 : i32
      %mul3A_68 = arith.muli %add3A, %mul3A_67 : i32
      %dma_start3A_69 = arith.constant 0 : i32
      %dma_start3A_70 = tpu.memref_slice %arg4[%add3A_60, %mul3A_68, %dma_start3A_69] : memref<56x512x768xf32, #tpu.memory_space<hbm>> -> memref<1x16x768xf32, #tpu.memory_space<hbm>>
      %dma_start3A_71 = tpu.memref_squeeze %dma_start3A_70 : memref<1x16x768xf32, #tpu.memory_space<hbm>> -> memref<16x768xf32, #tpu.memory_space<hbm>>
      %dma_start3A_72 = arith.constant 0 : i32
      %dma_start3A_73 = tpu.memref_slice %arg4[%add3A_60, %mul3A_68, %dma_start3A_72] : memref<56x512x768xf32, #tpu.memory_space<hbm>> -> memref<1x16x768xf32, #tpu.memory_space<hbm>>
      %dma_start3A_74 = tpu.memref_squeeze %dma_start3A_73 : memref<1x16x768xf32, #tpu.memory_space<hbm>> -> memref<16x768xf32, #tpu.memory_space<hbm>>
      tpu.enqueue_dma source(%arg7 : memref<16x768xf32, #tpu.memory_space<vmem>>) target(%dma_start3A_74 : memref<16x768xf32, #tpu.memory_space<hbm>>) target_semaphore(%arg15 : memref<!tpu.dma_semaphore, #tpu.memory_space<semaphore_mem>>)
      %ge3A_75 = arith.constant 2 : i32
      %ge3A_76 = arith.cmpi sge, %add3A_60, %ge3A_75 : i32
      %convert_element_type3A_77 = arith.extui %ge3A_76 : i1 to i32
      %cond3A_78 = arith.constant 0 : i32
      %cond3A_79 = arith.cmpi ne, %convert_element_type3A_77, %cond3A_78 : i32
      scf.if %cond3A_79 {
        %mul3A_147 = arith.constant 16 : i32
        %mul3A_148 = arith.muli %add3A, %mul3A_147 : i32
        %dma_wait3A_149 = arith.constant 0 : i32
        %dma_wait3A_150 = arith.constant 0 : i32
        %dma_wait3A_151 = tpu.memref_slice %arg4[%dma_wait3A_149, %mul3A_148, %dma_wait3A_150] : memref<56x512x768xf32, #tpu.memory_space<hbm>> -> memref<1x16x768xf32, #tpu.memory_space<hbm>>
        %dma_wait3A_152 = tpu.memref_squeeze %dma_wait3A_151 : memref<1x16x768xf32, #tpu.memory_space<hbm>> -> memref<16x768xf32, #tpu.memory_space<hbm>>
        %dma_wait3A_153 = arith.constant 0 : i32
        %dma_wait3A_154 = tpu.memref_slice %arg4[%dma_wait3A_149, %mul3A_148, %dma_wait3A_153] : memref<56x512x768xf32, #tpu.memory_space<hbm>> -> memref<1x16x768xf32, #tpu.memory_space<hbm>>
        %dma_wait3A_155 = tpu.memref_squeeze %dma_wait3A_154 : memref<1x16x768xf32, #tpu.memory_space<hbm>> -> memref<16x768xf32, #tpu.memory_space<hbm>>
        tpu.wait_dma2 semaphore(%arg17 : memref<!tpu.dma_semaphore, #tpu.memory_space<semaphore_mem>>) src(%arg9 : memref<16x768xf32, #tpu.memory_space<vmem>>) dst(%dma_wait3A_155 : memref<16x768xf32, #tpu.memory_space<hbm>>)
      } else {
      }
      %add3A_80 = arith.constant 2 : i32
      %add3A_81 = arith.addi %add3A_60, %add3A_80 : i32
      %lt3A_82 = arith.constant 56 : i32
      %lt3A_83 = arith.cmpi slt, %add3A_81, %lt3A_82 : i32
      %convert_element_type3A_84 = arith.extui %lt3A_83 : i1 to i32
      %cond3A_85 = arith.constant 0 : i32
      %cond3A_86 = arith.cmpi ne, %convert_element_type3A_84, %cond3A_85 : i32
      scf.if %cond3A_86 {
        %add3A_147 = arith.constant 2 : i32
        %add3A_148 = arith.addi %add3A_60, %add3A_147 : i32
        %mul3A_149 = arith.constant 16 : i32
        %mul3A_150 = arith.muli %add3A_148, %mul3A_149 : i32
        %dma_start3A_151 = tpu.memref_slice %arg5[%mul3A_150] : memref<896xi32, #tpu.memory_space<vmem>> -> memref<16xi32, #tpu.memory_space<vmem>>
        %dma_start3A_152 = arith.constant 0 : i32
        %dma_start3A_153 = arith.constant 0 : i32
        %dma_start3A_154 = tpu.memref_slice %arg3[%dma_start3A_152, %dma_start3A_153] : memref<30522x768xf32, #tpu.memory_space<hbm>> -> memref<30522x768xf32, #tpu.memory_space<hbm>>
        tpu.enqueue_indirect_dma source(%dma_start3A_154 : memref<30522x768xf32, #tpu.memory_space<hbm>>) target(%arg9 : memref<16x768xf32, #tpu.memory_space<vmem>>) offsets(%dma_start3A_151 : memref<16xi32, #tpu.memory_space<vmem>>) semaphore(%arg13 : memref<!tpu.dma_semaphore, #tpu.memory_space<semaphore_mem>>)
      } else {
      }
      %mul3A_87 = arith.constant 4 : i32
      %mul3A_88 = arith.muli %mul3A_87, %scan3A_32 : i32
      %add3A_89 = arith.constant 2 : i32
      %add3A_90 = arith.addi %mul3A_88, %add3A_89 : i32
      %dma_wait3A_91 = arith.constant 0 : i32
      %dma_wait3A_92 = arith.constant 0 : i32
      %dma_wait3A_93 = tpu.memref_slice %arg3[%dma_wait3A_91, %dma_wait3A_92] : memref<30522x768xf32, #tpu.memory_space<hbm>> -> memref<16x768xf32, #tpu.memory_space<hbm>>
      %dma_wait3A_94 = arith.constant 0 : i32
      %dma_wait3A_95 = arith.constant 0 : i32
      %dma_wait3A_96 = tpu.memref_slice %arg3[%dma_wait3A_94, %dma_wait3A_95] : memref<30522x768xf32, #tpu.memory_space<hbm>> -> memref<16x768xf32, #tpu.memory_space<hbm>>
      tpu.wait_dma2 semaphore(%arg12 : memref<!tpu.dma_semaphore, #tpu.memory_space<semaphore_mem>>) src(%dma_wait3A_96 : memref<16x768xf32, #tpu.memory_space<hbm>>) dst(%arg8 : memref<16x768xf32, #tpu.memory_space<vmem>>)
      %mul3A_97 = arith.constant 16 : i32
      %mul3A_98 = arith.muli %add3A, %mul3A_97 : i32
      %dma_start3A_99 = arith.constant 0 : i32
      %dma_start3A_100 = tpu.memref_slice %arg4[%add3A_90, %mul3A_98, %dma_start3A_99] : memref<56x512x768xf32, #tpu.memory_space<hbm>> -> memref<1x16x768xf32, #tpu.memory_space<hbm>>
      %dma_start3A_101 = tpu.memref_squeeze %dma_start3A_100 : memref<1x16x768xf32, #tpu.memory_space<hbm>> -> memref<16x768xf32, #tpu.memory_space<hbm>>
      %dma_start3A_102 = arith.constant 0 : i32
      %dma_start3A_103 = tpu.memref_slice %arg4[%add3A_90, %mul3A_98, %dma_start3A_102] : memref<56x512x768xf32, #tpu.memory_space<hbm>> -> memref<1x16x768xf32, #tpu.memory_space<hbm>>
      %dma_start3A_104 = tpu.memref_squeeze %dma_start3A_103 : memref<1x16x768xf32, #tpu.memory_space<hbm>> -> memref<16x768xf32, #tpu.memory_space<hbm>>
      tpu.enqueue_dma source(%arg8 : memref<16x768xf32, #tpu.memory_space<vmem>>) target(%dma_start3A_104 : memref<16x768xf32, #tpu.memory_space<hbm>>) target_semaphore(%arg16 : memref<!tpu.dma_semaphore, #tpu.memory_space<semaphore_mem>>)
      %ge3A_105 = arith.constant 2 : i32
      %ge3A_106 = arith.cmpi sge, %add3A_90, %ge3A_105 : i32
      %convert_element_type3A_107 = arith.extui %ge3A_106 : i1 to i32
      %cond3A_108 = arith.constant 0 : i32
      %cond3A_109 = arith.cmpi ne, %convert_element_type3A_107, %cond3A_108 : i32
      scf.if %cond3A_109 {
        %mul3A_147 = arith.constant 16 : i32
        %mul3A_148 = arith.muli %add3A, %mul3A_147 : i32
        %dma_wait3A_149 = arith.constant 0 : i32
        %dma_wait3A_150 = arith.constant 0 : i32
        %dma_wait3A_151 = tpu.memref_slice %arg4[%dma_wait3A_149, %mul3A_148, %dma_wait3A_150] : memref<56x512x768xf32, #tpu.memory_space<hbm>> -> memref<1x16x768xf32, #tpu.memory_space<hbm>>
        %dma_wait3A_152 = tpu.memref_squeeze %dma_wait3A_151 : memref<1x16x768xf32, #tpu.memory_space<hbm>> -> memref<16x768xf32, #tpu.memory_space<hbm>>
        %dma_wait3A_153 = arith.constant 0 : i32
        %dma_wait3A_154 = tpu.memref_slice %arg4[%dma_wait3A_149, %mul3A_148, %dma_wait3A_153] : memref<56x512x768xf32, #tpu.memory_space<hbm>> -> memref<1x16x768xf32, #tpu.memory_space<hbm>>
        %dma_wait3A_155 = tpu.memref_squeeze %dma_wait3A_154 : memref<1x16x768xf32, #tpu.memory_space<hbm>> -> memref<16x768xf32, #tpu.memory_space<hbm>>
        tpu.wait_dma2 semaphore(%arg14 : memref<!tpu.dma_semaphore, #tpu.memory_space<semaphore_mem>>) src(%arg6 : memref<16x768xf32, #tpu.memory_space<vmem>>) dst(%dma_wait3A_155 : memref<16x768xf32, #tpu.memory_space<hbm>>)
      } else {
      }
      %add3A_110 = arith.constant 2 : i32
      %add3A_111 = arith.addi %add3A_90, %add3A_110 : i32
      %lt3A_112 = arith.constant 56 : i32
      %lt3A_113 = arith.cmpi slt, %add3A_111, %lt3A_112 : i32
      %convert_element_type3A_114 = arith.extui %lt3A_113 : i1 to i32
      %cond3A_115 = arith.constant 0 : i32
      %cond3A_116 = arith.cmpi ne, %convert_element_type3A_114, %cond3A_115 : i32
      scf.if %cond3A_116 {
        %add3A_147 = arith.constant 2 : i32
        %add3A_148 = arith.addi %add3A_90, %add3A_147 : i32
        %mul3A_149 = arith.constant 16 : i32
        %mul3A_150 = arith.muli %add3A_148, %mul3A_149 : i32
        %dma_start3A_151 = tpu.memref_slice %arg5[%mul3A_150] : memref<896xi32, #tpu.memory_space<vmem>> -> memref<16xi32, #tpu.memory_space<vmem>>
        %dma_start3A_152 = arith.constant 0 : i32
        %dma_start3A_153 = arith.constant 0 : i32
        %dma_start3A_154 = tpu.memref_slice %arg3[%dma_start3A_152, %dma_start3A_153] : memref<30522x768xf32, #tpu.memory_space<hbm>> -> memref<30522x768xf32, #tpu.memory_space<hbm>>
        tpu.enqueue_indirect_dma source(%dma_start3A_154 : memref<30522x768xf32, #tpu.memory_space<hbm>>) target(%arg6 : memref<16x768xf32, #tpu.memory_space<vmem>>) offsets(%dma_start3A_151 : memref<16xi32, #tpu.memory_space<vmem>>) semaphore(%arg10 : memref<!tpu.dma_semaphore, #tpu.memory_space<semaphore_mem>>)
      } else {
      }
      %mul3A_117 = arith.constant 4 : i32
      %mul3A_118 = arith.muli %mul3A_117, %scan3A_32 : i32
      %add3A_119 = arith.constant 3 : i32
      %add3A_120 = arith.addi %mul3A_118, %add3A_119 : i32
      %dma_wait3A_121 = arith.constant 0 : i32
      %dma_wait3A_122 = arith.constant 0 : i32
      %dma_wait3A_123 = tpu.memref_slice %arg3[%dma_wait3A_121, %dma_wait3A_122] : memref<30522x768xf32, #tpu.memory_space<hbm>> -> memref<16x768xf32, #tpu.memory_space<hbm>>
      %dma_wait3A_124 = arith.constant 0 : i32
      %dma_wait3A_125 = arith.constant 0 : i32
      %dma_wait3A_126 = tpu.memref_slice %arg3[%dma_wait3A_124, %dma_wait3A_125] : memref<30522x768xf32, #tpu.memory_space<hbm>> -> memref<16x768xf32, #tpu.memory_space<hbm>>
      tpu.wait_dma2 semaphore(%arg13 : memref<!tpu.dma_semaphore, #tpu.memory_space<semaphore_mem>>) src(%dma_wait3A_126 : memref<16x768xf32, #tpu.memory_space<hbm>>) dst(%arg9 : memref<16x768xf32, #tpu.memory_space<vmem>>)
      %mul3A_127 = arith.constant 16 : i32
      %mul3A_128 = arith.muli %add3A, %mul3A_127 : i32
      %dma_start3A_129 = arith.constant 0 : i32
      %dma_start3A_130 = tpu.memref_slice %arg4[%add3A_120, %mul3A_128, %dma_start3A_129] : memref<56x512x768xf32, #tpu.memory_space<hbm>> -> memref<1x16x768xf32, #tpu.memory_space<hbm>>
      %dma_start3A_131 = tpu.memref_squeeze %dma_start3A_130 : memref<1x16x768xf32, #tpu.memory_space<hbm>> -> memref<16x768xf32, #tpu.memory_space<hbm>>
      %dma_start3A_132 = arith.constant 0 : i32
      %dma_start3A_133 = tpu.memref_slice %arg4[%add3A_120, %mul3A_128, %dma_start3A_132] : memref<56x512x768xf32, #tpu.memory_space<hbm>> -> memref<1x16x768xf32, #tpu.memory_space<hbm>>
      %dma_start3A_134 = tpu.memref_squeeze %dma_start3A_133 : memref<1x16x768xf32, #tpu.memory_space<hbm>> -> memref<16x768xf32, #tpu.memory_space<hbm>>
      tpu.enqueue_dma source(%arg9 : memref<16x768xf32, #tpu.memory_space<vmem>>) target(%dma_start3A_134 : memref<16x768xf32, #tpu.memory_space<hbm>>) target_semaphore(%arg17 : memref<!tpu.dma_semaphore, #tpu.memory_space<semaphore_mem>>)
      %ge3A_135 = arith.constant 2 : i32
      %ge3A_136 = arith.cmpi sge, %add3A_120, %ge3A_135 : i32
      %convert_element_type3A_137 = arith.extui %ge3A_136 : i1 to i32
      %cond3A_138 = arith.constant 0 : i32
      %cond3A_139 = arith.cmpi ne, %convert_element_type3A_137, %cond3A_138 : i32
      scf.if %cond3A_139 {
        %mul3A_147 = arith.constant 16 : i32
        %mul3A_148 = arith.muli %add3A, %mul3A_147 : i32
        %dma_wait3A_149 = arith.constant 0 : i32
        %dma_wait3A_150 = arith.constant 0 : i32
        %dma_wait3A_151 = tpu.memref_slice %arg4[%dma_wait3A_149, %mul3A_148, %dma_wait3A_150] : memref<56x512x768xf32, #tpu.memory_space<hbm>> -> memref<1x16x768xf32, #tpu.memory_space<hbm>>
        %dma_wait3A_152 = tpu.memref_squeeze %dma_wait3A_151 : memref<1x16x768xf32, #tpu.memory_space<hbm>> -> memref<16x768xf32, #tpu.memory_space<hbm>>
        %dma_wait3A_153 = arith.constant 0 : i32
        %dma_wait3A_154 = tpu.memref_slice %arg4[%dma_wait3A_149, %mul3A_148, %dma_wait3A_153] : memref<56x512x768xf32, #tpu.memory_space<hbm>> -> memref<1x16x768xf32, #tpu.memory_space<hbm>>
        %dma_wait3A_155 = tpu.memref_squeeze %dma_wait3A_154 : memref<1x16x768xf32, #tpu.memory_space<hbm>> -> memref<16x768xf32, #tpu.memory_space<hbm>>
        tpu.wait_dma2 semaphore(%arg15 : memref<!tpu.dma_semaphore, #tpu.memory_space<semaphore_mem>>) src(%arg7 : memref<16x768xf32, #tpu.memory_space<vmem>>) dst(%dma_wait3A_155 : memref<16x768xf32, #tpu.memory_space<hbm>>)
      } else {
      }
      %add3A_140 = arith.constant 2 : i32
      %add3A_141 = arith.addi %add3A_120, %add3A_140 : i32
      %lt3A_142 = arith.constant 56 : i32
      %lt3A_143 = arith.cmpi slt, %add3A_141, %lt3A_142 : i32
      %convert_element_type3A_144 = arith.extui %lt3A_143 : i1 to i32
      %cond3A_145 = arith.constant 0 : i32
      %cond3A_146 = arith.cmpi ne, %convert_element_type3A_144, %cond3A_145 : i32
      scf.if %cond3A_146 {
        %add3A_147 = arith.constant 2 : i32
        %add3A_148 = arith.addi %add3A_120, %add3A_147 : i32
        %mul3A_149 = arith.constant 16 : i32
        %mul3A_150 = arith.muli %add3A_148, %mul3A_149 : i32
        %dma_start3A_151 = tpu.memref_slice %arg5[%mul3A_150] : memref<896xi32, #tpu.memory_space<vmem>> -> memref<16xi32, #tpu.memory_space<vmem>>
        %dma_start3A_152 = arith.constant 0 : i32
        %dma_start3A_153 = arith.constant 0 : i32
        %dma_start3A_154 = tpu.memref_slice %arg3[%dma_start3A_152, %dma_start3A_153] : memref<30522x768xf32, #tpu.memory_space<hbm>> -> memref<30522x768xf32, #tpu.memory_space<hbm>>
        tpu.enqueue_indirect_dma source(%dma_start3A_154 : memref<30522x768xf32, #tpu.memory_space<hbm>>) target(%arg7 : memref<16x768xf32, #tpu.memory_space<vmem>>) offsets(%dma_start3A_151 : memref<16xi32, #tpu.memory_space<vmem>>) semaphore(%arg11 : memref<!tpu.dma_semaphore, #tpu.memory_space<semaphore_mem>>)
      } else {
      }
    }
    %scan3A_14 = arith.constant 14 : i32
    %mul3A_15 = arith.constant 16 : i32
    %mul3A_16 = arith.muli %add3A, %mul3A_15 : i32
    %dma_wait3A = arith.constant 0 : i32
    %dma_wait3A_17 = arith.constant 0 : i32
    %dma_wait3A_18 = tpu.memref_slice %arg4[%dma_wait3A, %mul3A_16, %dma_wait3A_17] : memref<56x512x768xf32, #tpu.memory_space<hbm>> -> memref<1x16x768xf32, #tpu.memory_space<hbm>>
    %dma_wait3A_19 = tpu.memref_squeeze %dma_wait3A_18 : memref<1x16x768xf32, #tpu.memory_space<hbm>> -> memref<16x768xf32, #tpu.memory_space<hbm>>
    %dma_wait3A_20 = arith.constant 0 : i32
    %dma_wait3A_21 = tpu.memref_slice %arg4[%dma_wait3A, %mul3A_16, %dma_wait3A_20] : memref<56x512x768xf32, #tpu.memory_space<hbm>> -> memref<1x16x768xf32, #tpu.memory_space<hbm>>
    %dma_wait3A_22 = tpu.memref_squeeze %dma_wait3A_21 : memref<1x16x768xf32, #tpu.memory_space<hbm>> -> memref<16x768xf32, #tpu.memory_space<hbm>>
    tpu.wait_dma2 semaphore(%arg16 : memref<!tpu.dma_semaphore, #tpu.memory_space<semaphore_mem>>) src(%arg8 : memref<16x768xf32, #tpu.memory_space<vmem>>) dst(%dma_wait3A_22 : memref<16x768xf32, #tpu.memory_space<hbm>>)
    %mul3A_23 = arith.constant 16 : i32
    %mul3A_24 = arith.muli %add3A, %mul3A_23 : i32
    %dma_wait3A_25 = arith.constant 0 : i32
    %dma_wait3A_26 = arith.constant 0 : i32
    %dma_wait3A_27 = tpu.memref_slice %arg4[%dma_wait3A_25, %mul3A_24, %dma_wait3A_26] : memref<56x512x768xf32, #tpu.memory_space<hbm>> -> memref<1x16x768xf32, #tpu.memory_space<hbm>>
    %dma_wait3A_28 = tpu.memref_squeeze %dma_wait3A_27 : memref<1x16x768xf32, #tpu.memory_space<hbm>> -> memref<16x768xf32, #tpu.memory_space<hbm>>
    %dma_wait3A_29 = arith.constant 0 : i32
    %dma_wait3A_30 = tpu.memref_slice %arg4[%dma_wait3A_25, %mul3A_24, %dma_wait3A_29] : memref<56x512x768xf32, #tpu.memory_space<hbm>> -> memref<1x16x768xf32, #tpu.memory_space<hbm>>
    %dma_wait3A_31 = tpu.memref_squeeze %dma_wait3A_30 : memref<1x16x768xf32, #tpu.memory_space<hbm>> -> memref<16x768xf32, #tpu.memory_space<hbm>>
    tpu.wait_dma2 semaphore(%arg17 : memref<!tpu.dma_semaphore, #tpu.memory_space<semaphore_mem>>) src(%arg9 : memref<16x768xf32, #tpu.memory_space<vmem>>) dst(%dma_wait3A_31 : memref<16x768xf32, #tpu.memory_space<hbm>>)
    return
  }
}

#map = affine_map<(d0, d1) -> (0, 0)>
#map1 = affine_map<(d0, d1) -> (0, 0, 0)>
module attributes {stable_mosaic.version = 14 : i64} {
  func.func @_sc_gather_body(%arg0: i32, %arg1: i32, %arg2: memref<32x128xi32, #tpu.memory_space<hbm>>, %arg3: memref<30522x768xf32, #tpu.memory_space<hbm>>, %arg4: memref<8x512x768xf32, #tpu.memory_space<hbm>>, %arg5: memref<128xi32, #tpu.memory_space<vmem>>, %arg6: memref<16x768xf32, #tpu.memory_space<vmem>>, %arg7: memref<16x768xf32, #tpu.memory_space<vmem>>, %arg8: memref<16x768xf32, #tpu.memory_space<vmem>>, %arg9: memref<16x768xf32, #tpu.memory_space<vmem>>, %arg10: memref<!tpu.dma_semaphore, #tpu.memory_space<semaphore_mem>>, %arg11: memref<!tpu.dma_semaphore, #tpu.memory_space<semaphore_mem>>, %arg12: memref<!tpu.dma_semaphore, #tpu.memory_space<semaphore_mem>>, %arg13: memref<!tpu.dma_semaphore, #tpu.memory_space<semaphore_mem>>, %arg14: memref<!tpu.dma_semaphore, #tpu.memory_space<semaphore_mem>>, %arg15: memref<!tpu.dma_semaphore, #tpu.memory_space<semaphore_mem>>, %arg16: memref<!tpu.dma_semaphore, #tpu.memory_space<semaphore_mem>>, %arg17: memref<!tpu.dma_semaphore, #tpu.memory_space<semaphore_mem>>) attributes {dimension_semantics = [#tpu.dimension_semantics<core_parallel>, #tpu.dimension_semantics<subcore_parallel>], iteration_bounds = array<i64: 2, 16>, scalar_prefetch = 0 : i64, scratch_operands = 13 : i64, tpu.core_type = #tpu.core_type<sc_vector_subcore>, window_params = [{transform_indices = #map}, {transform_indices = #map}, {transform_indices = #map1}]} {
    %mul3A = arith.constant 2 : i32
    %mul3A_0 = arith.muli %arg1, %mul3A : i32
    %add3A = arith.addi %mul3A_0, %arg0 : i32
    "tpu.region"() ({
      %run_scoped3A = tpu.sem_alloc : memref<!tpu.dma_semaphore, #tpu.memory_space<semaphore_mem>>
      %dma_start3A_32 = arith.constant 0 : i32
      %dma_start3A_33 = tpu.memref_slice %arg2[%add3A, %dma_start3A_32] : memref<32x128xi32, #tpu.memory_space<hbm>> -> memref<1x128xi32, #tpu.memory_space<hbm>>
      %dma_start3A_34 = tpu.memref_squeeze %dma_start3A_33 : memref<1x128xi32, #tpu.memory_space<hbm>> -> memref<128xi32, #tpu.memory_space<hbm>>
      %dma_start3A_35 = arith.constant 0 : i32
      %dma_start3A_36 = tpu.memref_slice %arg2[%add3A, %dma_start3A_35] : memref<32x128xi32, #tpu.memory_space<hbm>> -> memref<1x128xi32, #tpu.memory_space<hbm>>
      %dma_start3A_37 = tpu.memref_squeeze %dma_start3A_36 : memref<1x128xi32, #tpu.memory_space<hbm>> -> memref<128xi32, #tpu.memory_space<hbm>>
      tpu.enqueue_dma source(%dma_start3A_37 : memref<128xi32, #tpu.memory_space<hbm>>) target(%arg5 : memref<128xi32, #tpu.memory_space<vmem>>) target_semaphore(%run_scoped3A : memref<!tpu.dma_semaphore, #tpu.memory_space<semaphore_mem>>)
      %dma_wait3A_38 = arith.constant 0 : i32
      %dma_wait3A_39 = tpu.memref_slice %arg2[%add3A, %dma_wait3A_38] : memref<32x128xi32, #tpu.memory_space<hbm>> -> memref<1x128xi32, #tpu.memory_space<hbm>>
      %dma_wait3A_40 = tpu.memref_squeeze %dma_wait3A_39 : memref<1x128xi32, #tpu.memory_space<hbm>> -> memref<128xi32, #tpu.memory_space<hbm>>
      %dma_wait3A_41 = arith.constant 0 : i32
      %dma_wait3A_42 = tpu.memref_slice %arg2[%add3A, %dma_wait3A_41] : memref<32x128xi32, #tpu.memory_space<hbm>> -> memref<1x128xi32, #tpu.memory_space<hbm>>
      %dma_wait3A_43 = tpu.memref_squeeze %dma_wait3A_42 : memref<1x128xi32, #tpu.memory_space<hbm>> -> memref<128xi32, #tpu.memory_space<hbm>>
      tpu.wait_dma2 semaphore(%run_scoped3A : memref<!tpu.dma_semaphore, #tpu.memory_space<semaphore_mem>>) src(%dma_wait3A_43 : memref<128xi32, #tpu.memory_space<hbm>>) dst(%arg5 : memref<128xi32, #tpu.memory_space<vmem>>)
      tpu.yield
    }) : () -> ()
    %dma_start3A = arith.constant 0 : i32
    %dma_start3A_1 = tpu.memref_slice %arg5[%dma_start3A] : memref<128xi32, #tpu.memory_space<vmem>> -> memref<16xi32, #tpu.memory_space<vmem>>
    %dma_start3A_2 = arith.constant 0 : i32
    %dma_start3A_3 = arith.constant 0 : i32
    %dma_start3A_4 = tpu.memref_slice %arg3[%dma_start3A_2, %dma_start3A_3] : memref<30522x768xf32, #tpu.memory_space<hbm>> -> memref<30522x768xf32, #tpu.memory_space<hbm>>
    tpu.enqueue_indirect_dma source(%dma_start3A_4 : memref<30522x768xf32, #tpu.memory_space<hbm>>) target(%arg6 : memref<16x768xf32, #tpu.memory_space<vmem>>) offsets(%dma_start3A_1 : memref<16xi32, #tpu.memory_space<vmem>>) semaphore(%arg10 : memref<!tpu.dma_semaphore, #tpu.memory_space<semaphore_mem>>)
    %dma_start3A_5 = arith.constant 16 : i32
    %dma_start3A_6 = tpu.memref_slice %arg5[%dma_start3A_5] : memref<128xi32, #tpu.memory_space<vmem>> -> memref<16xi32, #tpu.memory_space<vmem>>
    %dma_start3A_7 = arith.constant 0 : i32
    %dma_start3A_8 = arith.constant 0 : i32
    %dma_start3A_9 = tpu.memref_slice %arg3[%dma_start3A_7, %dma_start3A_8] : memref<30522x768xf32, #tpu.memory_space<hbm>> -> memref<30522x768xf32, #tpu.memory_space<hbm>>
    tpu.enqueue_indirect_dma source(%dma_start3A_9 : memref<30522x768xf32, #tpu.memory_space<hbm>>) target(%arg7 : memref<16x768xf32, #tpu.memory_space<vmem>>) offsets(%dma_start3A_6 : memref<16xi32, #tpu.memory_space<vmem>>) semaphore(%arg11 : memref<!tpu.dma_semaphore, #tpu.memory_space<semaphore_mem>>)
    %scan3A = arith.constant 0 : i32
    %scan3A_10 = arith.constant 0 : i32
    %scan3A_11 = arith.constant 2 : i32
    %scan3A_12 = arith.addi %scan3A_10, %scan3A_11 : i32
    %scan3A_13 = arith.constant 1 : i32
    scf.for %scan3A_32 = %scan3A_10 to %scan3A_12 step %scan3A_13  : i32 {
      %mul3A_33 = arith.constant 4 : i32
      %mul3A_34 = arith.muli %mul3A_33, %scan3A_32 : i32
      %dma_wait3A_35 = arith.constant 0 : i32
      %dma_wait3A_36 = arith.constant 0 : i32
      %dma_wait3A_37 = tpu.memref_slice %arg3[%dma_wait3A_35, %dma_wait3A_36] : memref<30522x768xf32, #tpu.memory_space<hbm>> -> memref<16x768xf32, #tpu.memory_space<hbm>>
      %dma_wait3A_38 = arith.constant 0 : i32
      %dma_wait3A_39 = arith.constant 0 : i32
      %dma_wait3A_40 = tpu.memref_slice %arg3[%dma_wait3A_38, %dma_wait3A_39] : memref<30522x768xf32, #tpu.memory_space<hbm>> -> memref<16x768xf32, #tpu.memory_space<hbm>>
      tpu.wait_dma2 semaphore(%arg10 : memref<!tpu.dma_semaphore, #tpu.memory_space<semaphore_mem>>) src(%dma_wait3A_40 : memref<16x768xf32, #tpu.memory_space<hbm>>) dst(%arg6 : memref<16x768xf32, #tpu.memory_space<vmem>>)
      %mul3A_41 = arith.constant 16 : i32
      %mul3A_42 = arith.muli %add3A, %mul3A_41 : i32
      %dma_start3A_43 = arith.constant 0 : i32
      %dma_start3A_44 = tpu.memref_slice %arg4[%mul3A_34, %mul3A_42, %dma_start3A_43] : memref<8x512x768xf32, #tpu.memory_space<hbm>> -> memref<1x16x768xf32, #tpu.memory_space<hbm>>
      %dma_start3A_45 = tpu.memref_squeeze %dma_start3A_44 : memref<1x16x768xf32, #tpu.memory_space<hbm>> -> memref<16x768xf32, #tpu.memory_space<hbm>>
      %dma_start3A_46 = arith.constant 0 : i32
      %dma_start3A_47 = tpu.memref_slice %arg4[%mul3A_34, %mul3A_42, %dma_start3A_46] : memref<8x512x768xf32, #tpu.memory_space<hbm>> -> memref<1x16x768xf32, #tpu.memory_space<hbm>>
      %dma_start3A_48 = tpu.memref_squeeze %dma_start3A_47 : memref<1x16x768xf32, #tpu.memory_space<hbm>> -> memref<16x768xf32, #tpu.memory_space<hbm>>
      tpu.enqueue_dma source(%arg6 : memref<16x768xf32, #tpu.memory_space<vmem>>) target(%dma_start3A_48 : memref<16x768xf32, #tpu.memory_space<hbm>>) target_semaphore(%arg14 : memref<!tpu.dma_semaphore, #tpu.memory_space<semaphore_mem>>)
      %ge3A = arith.constant 2 : i32
      %ge3A_49 = arith.cmpi sge, %mul3A_34, %ge3A : i32
      %convert_element_type3A = arith.extui %ge3A_49 : i1 to i32
      %cond3A = arith.constant 0 : i32
      %cond3A_50 = arith.cmpi ne, %convert_element_type3A, %cond3A : i32
      scf.if %cond3A_50 {
        %mul3A_147 = arith.constant 16 : i32
        %mul3A_148 = arith.muli %add3A, %mul3A_147 : i32
        %dma_wait3A_149 = arith.constant 0 : i32
        %dma_wait3A_150 = arith.constant 0 : i32
        %dma_wait3A_151 = tpu.memref_slice %arg4[%dma_wait3A_149, %mul3A_148, %dma_wait3A_150] : memref<8x512x768xf32, #tpu.memory_space<hbm>> -> memref<1x16x768xf32, #tpu.memory_space<hbm>>
        %dma_wait3A_152 = tpu.memref_squeeze %dma_wait3A_151 : memref<1x16x768xf32, #tpu.memory_space<hbm>> -> memref<16x768xf32, #tpu.memory_space<hbm>>
        %dma_wait3A_153 = arith.constant 0 : i32
        %dma_wait3A_154 = tpu.memref_slice %arg4[%dma_wait3A_149, %mul3A_148, %dma_wait3A_153] : memref<8x512x768xf32, #tpu.memory_space<hbm>> -> memref<1x16x768xf32, #tpu.memory_space<hbm>>
        %dma_wait3A_155 = tpu.memref_squeeze %dma_wait3A_154 : memref<1x16x768xf32, #tpu.memory_space<hbm>> -> memref<16x768xf32, #tpu.memory_space<hbm>>
        tpu.wait_dma2 semaphore(%arg16 : memref<!tpu.dma_semaphore, #tpu.memory_space<semaphore_mem>>) src(%arg8 : memref<16x768xf32, #tpu.memory_space<vmem>>) dst(%dma_wait3A_155 : memref<16x768xf32, #tpu.memory_space<hbm>>)
      } else {
      }
      %add3A_51 = arith.constant 2 : i32
      %add3A_52 = arith.addi %mul3A_34, %add3A_51 : i32
      %lt3A = arith.constant 8 : i32
      %lt3A_53 = arith.cmpi slt, %add3A_52, %lt3A : i32
      %convert_element_type3A_54 = arith.extui %lt3A_53 : i1 to i32
      %cond3A_55 = arith.constant 0 : i32
      %cond3A_56 = arith.cmpi ne, %convert_element_type3A_54, %cond3A_55 : i32
      scf.if %cond3A_56 {
        %add3A_147 = arith.constant 2 : i32
        %add3A_148 = arith.addi %mul3A_34, %add3A_147 : i32
        %mul3A_149 = arith.constant 16 : i32
        %mul3A_150 = arith.muli %add3A_148, %mul3A_149 : i32
        %dma_start3A_151 = tpu.memref_slice %arg5[%mul3A_150] : memref<128xi32, #tpu.memory_space<vmem>> -> memref<16xi32, #tpu.memory_space<vmem>>
        %dma_start3A_152 = arith.constant 0 : i32
        %dma_start3A_153 = arith.constant 0 : i32
        %dma_start3A_154 = tpu.memref_slice %arg3[%dma_start3A_152, %dma_start3A_153] : memref<30522x768xf32, #tpu.memory_space<hbm>> -> memref<30522x768xf32, #tpu.memory_space<hbm>>
        tpu.enqueue_indirect_dma source(%dma_start3A_154 : memref<30522x768xf32, #tpu.memory_space<hbm>>) target(%arg8 : memref<16x768xf32, #tpu.memory_space<vmem>>) offsets(%dma_start3A_151 : memref<16xi32, #tpu.memory_space<vmem>>) semaphore(%arg12 : memref<!tpu.dma_semaphore, #tpu.memory_space<semaphore_mem>>)
      } else {
      }
      %mul3A_57 = arith.constant 4 : i32
      %mul3A_58 = arith.muli %mul3A_57, %scan3A_32 : i32
      %add3A_59 = arith.constant 1 : i32
      %add3A_60 = arith.addi %mul3A_58, %add3A_59 : i32
      %dma_wait3A_61 = arith.constant 0 : i32
      %dma_wait3A_62 = arith.constant 0 : i32
      %dma_wait3A_63 = tpu.memref_slice %arg3[%dma_wait3A_61, %dma_wait3A_62] : memref<30522x768xf32, #tpu.memory_space<hbm>> -> memref<16x768xf32, #tpu.memory_space<hbm>>
      %dma_wait3A_64 = arith.constant 0 : i32
      %dma_wait3A_65 = arith.constant 0 : i32
      %dma_wait3A_66 = tpu.memref_slice %arg3[%dma_wait3A_64, %dma_wait3A_65] : memref<30522x768xf32, #tpu.memory_space<hbm>> -> memref<16x768xf32, #tpu.memory_space<hbm>>
      tpu.wait_dma2 semaphore(%arg11 : memref<!tpu.dma_semaphore, #tpu.memory_space<semaphore_mem>>) src(%dma_wait3A_66 : memref<16x768xf32, #tpu.memory_space<hbm>>) dst(%arg7 : memref<16x768xf32, #tpu.memory_space<vmem>>)
      %mul3A_67 = arith.constant 16 : i32
      %mul3A_68 = arith.muli %add3A, %mul3A_67 : i32
      %dma_start3A_69 = arith.constant 0 : i32
      %dma_start3A_70 = tpu.memref_slice %arg4[%add3A_60, %mul3A_68, %dma_start3A_69] : memref<8x512x768xf32, #tpu.memory_space<hbm>> -> memref<1x16x768xf32, #tpu.memory_space<hbm>>
      %dma_start3A_71 = tpu.memref_squeeze %dma_start3A_70 : memref<1x16x768xf32, #tpu.memory_space<hbm>> -> memref<16x768xf32, #tpu.memory_space<hbm>>
      %dma_start3A_72 = arith.constant 0 : i32
      %dma_start3A_73 = tpu.memref_slice %arg4[%add3A_60, %mul3A_68, %dma_start3A_72] : memref<8x512x768xf32, #tpu.memory_space<hbm>> -> memref<1x16x768xf32, #tpu.memory_space<hbm>>
      %dma_start3A_74 = tpu.memref_squeeze %dma_start3A_73 : memref<1x16x768xf32, #tpu.memory_space<hbm>> -> memref<16x768xf32, #tpu.memory_space<hbm>>
      tpu.enqueue_dma source(%arg7 : memref<16x768xf32, #tpu.memory_space<vmem>>) target(%dma_start3A_74 : memref<16x768xf32, #tpu.memory_space<hbm>>) target_semaphore(%arg15 : memref<!tpu.dma_semaphore, #tpu.memory_space<semaphore_mem>>)
      %ge3A_75 = arith.constant 2 : i32
      %ge3A_76 = arith.cmpi sge, %add3A_60, %ge3A_75 : i32
      %convert_element_type3A_77 = arith.extui %ge3A_76 : i1 to i32
      %cond3A_78 = arith.constant 0 : i32
      %cond3A_79 = arith.cmpi ne, %convert_element_type3A_77, %cond3A_78 : i32
      scf.if %cond3A_79 {
        %mul3A_147 = arith.constant 16 : i32
        %mul3A_148 = arith.muli %add3A, %mul3A_147 : i32
        %dma_wait3A_149 = arith.constant 0 : i32
        %dma_wait3A_150 = arith.constant 0 : i32
        %dma_wait3A_151 = tpu.memref_slice %arg4[%dma_wait3A_149, %mul3A_148, %dma_wait3A_150] : memref<8x512x768xf32, #tpu.memory_space<hbm>> -> memref<1x16x768xf32, #tpu.memory_space<hbm>>
        %dma_wait3A_152 = tpu.memref_squeeze %dma_wait3A_151 : memref<1x16x768xf32, #tpu.memory_space<hbm>> -> memref<16x768xf32, #tpu.memory_space<hbm>>
        %dma_wait3A_153 = arith.constant 0 : i32
        %dma_wait3A_154 = tpu.memref_slice %arg4[%dma_wait3A_149, %mul3A_148, %dma_wait3A_153] : memref<8x512x768xf32, #tpu.memory_space<hbm>> -> memref<1x16x768xf32, #tpu.memory_space<hbm>>
        %dma_wait3A_155 = tpu.memref_squeeze %dma_wait3A_154 : memref<1x16x768xf32, #tpu.memory_space<hbm>> -> memref<16x768xf32, #tpu.memory_space<hbm>>
        tpu.wait_dma2 semaphore(%arg17 : memref<!tpu.dma_semaphore, #tpu.memory_space<semaphore_mem>>) src(%arg9 : memref<16x768xf32, #tpu.memory_space<vmem>>) dst(%dma_wait3A_155 : memref<16x768xf32, #tpu.memory_space<hbm>>)
      } else {
      }
      %add3A_80 = arith.constant 2 : i32
      %add3A_81 = arith.addi %add3A_60, %add3A_80 : i32
      %lt3A_82 = arith.constant 8 : i32
      %lt3A_83 = arith.cmpi slt, %add3A_81, %lt3A_82 : i32
      %convert_element_type3A_84 = arith.extui %lt3A_83 : i1 to i32
      %cond3A_85 = arith.constant 0 : i32
      %cond3A_86 = arith.cmpi ne, %convert_element_type3A_84, %cond3A_85 : i32
      scf.if %cond3A_86 {
        %add3A_147 = arith.constant 2 : i32
        %add3A_148 = arith.addi %add3A_60, %add3A_147 : i32
        %mul3A_149 = arith.constant 16 : i32
        %mul3A_150 = arith.muli %add3A_148, %mul3A_149 : i32
        %dma_start3A_151 = tpu.memref_slice %arg5[%mul3A_150] : memref<128xi32, #tpu.memory_space<vmem>> -> memref<16xi32, #tpu.memory_space<vmem>>
        %dma_start3A_152 = arith.constant 0 : i32
        %dma_start3A_153 = arith.constant 0 : i32
        %dma_start3A_154 = tpu.memref_slice %arg3[%dma_start3A_152, %dma_start3A_153] : memref<30522x768xf32, #tpu.memory_space<hbm>> -> memref<30522x768xf32, #tpu.memory_space<hbm>>
        tpu.enqueue_indirect_dma source(%dma_start3A_154 : memref<30522x768xf32, #tpu.memory_space<hbm>>) target(%arg9 : memref<16x768xf32, #tpu.memory_space<vmem>>) offsets(%dma_start3A_151 : memref<16xi32, #tpu.memory_space<vmem>>) semaphore(%arg13 : memref<!tpu.dma_semaphore, #tpu.memory_space<semaphore_mem>>)
      } else {
      }
      %mul3A_87 = arith.constant 4 : i32
      %mul3A_88 = arith.muli %mul3A_87, %scan3A_32 : i32
      %add3A_89 = arith.constant 2 : i32
      %add3A_90 = arith.addi %mul3A_88, %add3A_89 : i32
      %dma_wait3A_91 = arith.constant 0 : i32
      %dma_wait3A_92 = arith.constant 0 : i32
      %dma_wait3A_93 = tpu.memref_slice %arg3[%dma_wait3A_91, %dma_wait3A_92] : memref<30522x768xf32, #tpu.memory_space<hbm>> -> memref<16x768xf32, #tpu.memory_space<hbm>>
      %dma_wait3A_94 = arith.constant 0 : i32
      %dma_wait3A_95 = arith.constant 0 : i32
      %dma_wait3A_96 = tpu.memref_slice %arg3[%dma_wait3A_94, %dma_wait3A_95] : memref<30522x768xf32, #tpu.memory_space<hbm>> -> memref<16x768xf32, #tpu.memory_space<hbm>>
      tpu.wait_dma2 semaphore(%arg12 : memref<!tpu.dma_semaphore, #tpu.memory_space<semaphore_mem>>) src(%dma_wait3A_96 : memref<16x768xf32, #tpu.memory_space<hbm>>) dst(%arg8 : memref<16x768xf32, #tpu.memory_space<vmem>>)
      %mul3A_97 = arith.constant 16 : i32
      %mul3A_98 = arith.muli %add3A, %mul3A_97 : i32
      %dma_start3A_99 = arith.constant 0 : i32
      %dma_start3A_100 = tpu.memref_slice %arg4[%add3A_90, %mul3A_98, %dma_start3A_99] : memref<8x512x768xf32, #tpu.memory_space<hbm>> -> memref<1x16x768xf32, #tpu.memory_space<hbm>>
      %dma_start3A_101 = tpu.memref_squeeze %dma_start3A_100 : memref<1x16x768xf32, #tpu.memory_space<hbm>> -> memref<16x768xf32, #tpu.memory_space<hbm>>
      %dma_start3A_102 = arith.constant 0 : i32
      %dma_start3A_103 = tpu.memref_slice %arg4[%add3A_90, %mul3A_98, %dma_start3A_102] : memref<8x512x768xf32, #tpu.memory_space<hbm>> -> memref<1x16x768xf32, #tpu.memory_space<hbm>>
      %dma_start3A_104 = tpu.memref_squeeze %dma_start3A_103 : memref<1x16x768xf32, #tpu.memory_space<hbm>> -> memref<16x768xf32, #tpu.memory_space<hbm>>
      tpu.enqueue_dma source(%arg8 : memref<16x768xf32, #tpu.memory_space<vmem>>) target(%dma_start3A_104 : memref<16x768xf32, #tpu.memory_space<hbm>>) target_semaphore(%arg16 : memref<!tpu.dma_semaphore, #tpu.memory_space<semaphore_mem>>)
      %ge3A_105 = arith.constant 2 : i32
      %ge3A_106 = arith.cmpi sge, %add3A_90, %ge3A_105 : i32
      %convert_element_type3A_107 = arith.extui %ge3A_106 : i1 to i32
      %cond3A_108 = arith.constant 0 : i32
      %cond3A_109 = arith.cmpi ne, %convert_element_type3A_107, %cond3A_108 : i32
      scf.if %cond3A_109 {
        %mul3A_147 = arith.constant 16 : i32
        %mul3A_148 = arith.muli %add3A, %mul3A_147 : i32
        %dma_wait3A_149 = arith.constant 0 : i32
        %dma_wait3A_150 = arith.constant 0 : i32
        %dma_wait3A_151 = tpu.memref_slice %arg4[%dma_wait3A_149, %mul3A_148, %dma_wait3A_150] : memref<8x512x768xf32, #tpu.memory_space<hbm>> -> memref<1x16x768xf32, #tpu.memory_space<hbm>>
        %dma_wait3A_152 = tpu.memref_squeeze %dma_wait3A_151 : memref<1x16x768xf32, #tpu.memory_space<hbm>> -> memref<16x768xf32, #tpu.memory_space<hbm>>
        %dma_wait3A_153 = arith.constant 0 : i32
        %dma_wait3A_154 = tpu.memref_slice %arg4[%dma_wait3A_149, %mul3A_148, %dma_wait3A_153] : memref<8x512x768xf32, #tpu.memory_space<hbm>> -> memref<1x16x768xf32, #tpu.memory_space<hbm>>
        %dma_wait3A_155 = tpu.memref_squeeze %dma_wait3A_154 : memref<1x16x768xf32, #tpu.memory_space<hbm>> -> memref<16x768xf32, #tpu.memory_space<hbm>>
        tpu.wait_dma2 semaphore(%arg14 : memref<!tpu.dma_semaphore, #tpu.memory_space<semaphore_mem>>) src(%arg6 : memref<16x768xf32, #tpu.memory_space<vmem>>) dst(%dma_wait3A_155 : memref<16x768xf32, #tpu.memory_space<hbm>>)
      } else {
      }
      %add3A_110 = arith.constant 2 : i32
      %add3A_111 = arith.addi %add3A_90, %add3A_110 : i32
      %lt3A_112 = arith.constant 8 : i32
      %lt3A_113 = arith.cmpi slt, %add3A_111, %lt3A_112 : i32
      %convert_element_type3A_114 = arith.extui %lt3A_113 : i1 to i32
      %cond3A_115 = arith.constant 0 : i32
      %cond3A_116 = arith.cmpi ne, %convert_element_type3A_114, %cond3A_115 : i32
      scf.if %cond3A_116 {
        %add3A_147 = arith.constant 2 : i32
        %add3A_148 = arith.addi %add3A_90, %add3A_147 : i32
        %mul3A_149 = arith.constant 16 : i32
        %mul3A_150 = arith.muli %add3A_148, %mul3A_149 : i32
        %dma_start3A_151 = tpu.memref_slice %arg5[%mul3A_150] : memref<128xi32, #tpu.memory_space<vmem>> -> memref<16xi32, #tpu.memory_space<vmem>>
        %dma_start3A_152 = arith.constant 0 : i32
        %dma_start3A_153 = arith.constant 0 : i32
        %dma_start3A_154 = tpu.memref_slice %arg3[%dma_start3A_152, %dma_start3A_153] : memref<30522x768xf32, #tpu.memory_space<hbm>> -> memref<30522x768xf32, #tpu.memory_space<hbm>>
        tpu.enqueue_indirect_dma source(%dma_start3A_154 : memref<30522x768xf32, #tpu.memory_space<hbm>>) target(%arg6 : memref<16x768xf32, #tpu.memory_space<vmem>>) offsets(%dma_start3A_151 : memref<16xi32, #tpu.memory_space<vmem>>) semaphore(%arg10 : memref<!tpu.dma_semaphore, #tpu.memory_space<semaphore_mem>>)
      } else {
      }
      %mul3A_117 = arith.constant 4 : i32
      %mul3A_118 = arith.muli %mul3A_117, %scan3A_32 : i32
      %add3A_119 = arith.constant 3 : i32
      %add3A_120 = arith.addi %mul3A_118, %add3A_119 : i32
      %dma_wait3A_121 = arith.constant 0 : i32
      %dma_wait3A_122 = arith.constant 0 : i32
      %dma_wait3A_123 = tpu.memref_slice %arg3[%dma_wait3A_121, %dma_wait3A_122] : memref<30522x768xf32, #tpu.memory_space<hbm>> -> memref<16x768xf32, #tpu.memory_space<hbm>>
      %dma_wait3A_124 = arith.constant 0 : i32
      %dma_wait3A_125 = arith.constant 0 : i32
      %dma_wait3A_126 = tpu.memref_slice %arg3[%dma_wait3A_124, %dma_wait3A_125] : memref<30522x768xf32, #tpu.memory_space<hbm>> -> memref<16x768xf32, #tpu.memory_space<hbm>>
      tpu.wait_dma2 semaphore(%arg13 : memref<!tpu.dma_semaphore, #tpu.memory_space<semaphore_mem>>) src(%dma_wait3A_126 : memref<16x768xf32, #tpu.memory_space<hbm>>) dst(%arg9 : memref<16x768xf32, #tpu.memory_space<vmem>>)
      %mul3A_127 = arith.constant 16 : i32
      %mul3A_128 = arith.muli %add3A, %mul3A_127 : i32
      %dma_start3A_129 = arith.constant 0 : i32
      %dma_start3A_130 = tpu.memref_slice %arg4[%add3A_120, %mul3A_128, %dma_start3A_129] : memref<8x512x768xf32, #tpu.memory_space<hbm>> -> memref<1x16x768xf32, #tpu.memory_space<hbm>>
      %dma_start3A_131 = tpu.memref_squeeze %dma_start3A_130 : memref<1x16x768xf32, #tpu.memory_space<hbm>> -> memref<16x768xf32, #tpu.memory_space<hbm>>
      %dma_start3A_132 = arith.constant 0 : i32
      %dma_start3A_133 = tpu.memref_slice %arg4[%add3A_120, %mul3A_128, %dma_start3A_132] : memref<8x512x768xf32, #tpu.memory_space<hbm>> -> memref<1x16x768xf32, #tpu.memory_space<hbm>>
      %dma_start3A_134 = tpu.memref_squeeze %dma_start3A_133 : memref<1x16x768xf32, #tpu.memory_space<hbm>> -> memref<16x768xf32, #tpu.memory_space<hbm>>
      tpu.enqueue_dma source(%arg9 : memref<16x768xf32, #tpu.memory_space<vmem>>) target(%dma_start3A_134 : memref<16x768xf32, #tpu.memory_space<hbm>>) target_semaphore(%arg17 : memref<!tpu.dma_semaphore, #tpu.memory_space<semaphore_mem>>)
      %ge3A_135 = arith.constant 2 : i32
      %ge3A_136 = arith.cmpi sge, %add3A_120, %ge3A_135 : i32
      %convert_element_type3A_137 = arith.extui %ge3A_136 : i1 to i32
      %cond3A_138 = arith.constant 0 : i32
      %cond3A_139 = arith.cmpi ne, %convert_element_type3A_137, %cond3A_138 : i32
      scf.if %cond3A_139 {
        %mul3A_147 = arith.constant 16 : i32
        %mul3A_148 = arith.muli %add3A, %mul3A_147 : i32
        %dma_wait3A_149 = arith.constant 0 : i32
        %dma_wait3A_150 = arith.constant 0 : i32
        %dma_wait3A_151 = tpu.memref_slice %arg4[%dma_wait3A_149, %mul3A_148, %dma_wait3A_150] : memref<8x512x768xf32, #tpu.memory_space<hbm>> -> memref<1x16x768xf32, #tpu.memory_space<hbm>>
        %dma_wait3A_152 = tpu.memref_squeeze %dma_wait3A_151 : memref<1x16x768xf32, #tpu.memory_space<hbm>> -> memref<16x768xf32, #tpu.memory_space<hbm>>
        %dma_wait3A_153 = arith.constant 0 : i32
        %dma_wait3A_154 = tpu.memref_slice %arg4[%dma_wait3A_149, %mul3A_148, %dma_wait3A_153] : memref<8x512x768xf32, #tpu.memory_space<hbm>> -> memref<1x16x768xf32, #tpu.memory_space<hbm>>
        %dma_wait3A_155 = tpu.memref_squeeze %dma_wait3A_154 : memref<1x16x768xf32, #tpu.memory_space<hbm>> -> memref<16x768xf32, #tpu.memory_space<hbm>>
        tpu.wait_dma2 semaphore(%arg15 : memref<!tpu.dma_semaphore, #tpu.memory_space<semaphore_mem>>) src(%arg7 : memref<16x768xf32, #tpu.memory_space<vmem>>) dst(%dma_wait3A_155 : memref<16x768xf32, #tpu.memory_space<hbm>>)
      } else {
      }
      %add3A_140 = arith.constant 2 : i32
      %add3A_141 = arith.addi %add3A_120, %add3A_140 : i32
      %lt3A_142 = arith.constant 8 : i32
      %lt3A_143 = arith.cmpi slt, %add3A_141, %lt3A_142 : i32
      %convert_element_type3A_144 = arith.extui %lt3A_143 : i1 to i32
      %cond3A_145 = arith.constant 0 : i32
      %cond3A_146 = arith.cmpi ne, %convert_element_type3A_144, %cond3A_145 : i32
      scf.if %cond3A_146 {
        %add3A_147 = arith.constant 2 : i32
        %add3A_148 = arith.addi %add3A_120, %add3A_147 : i32
        %mul3A_149 = arith.constant 16 : i32
        %mul3A_150 = arith.muli %add3A_148, %mul3A_149 : i32
        %dma_start3A_151 = tpu.memref_slice %arg5[%mul3A_150] : memref<128xi32, #tpu.memory_space<vmem>> -> memref<16xi32, #tpu.memory_space<vmem>>
        %dma_start3A_152 = arith.constant 0 : i32
        %dma_start3A_153 = arith.constant 0 : i32
        %dma_start3A_154 = tpu.memref_slice %arg3[%dma_start3A_152, %dma_start3A_153] : memref<30522x768xf32, #tpu.memory_space<hbm>> -> memref<30522x768xf32, #tpu.memory_space<hbm>>
        tpu.enqueue_indirect_dma source(%dma_start3A_154 : memref<30522x768xf32, #tpu.memory_space<hbm>>) target(%arg7 : memref<16x768xf32, #tpu.memory_space<vmem>>) offsets(%dma_start3A_151 : memref<16xi32, #tpu.memory_space<vmem>>) semaphore(%arg11 : memref<!tpu.dma_semaphore, #tpu.memory_space<semaphore_mem>>)
      } else {
      }
    }
    %scan3A_14 = arith.constant 2 : i32
    %mul3A_15 = arith.constant 16 : i32
    %mul3A_16 = arith.muli %add3A, %mul3A_15 : i32
    %dma_wait3A = arith.constant 0 : i32
    %dma_wait3A_17 = arith.constant 0 : i32
    %dma_wait3A_18 = tpu.memref_slice %arg4[%dma_wait3A, %mul3A_16, %dma_wait3A_17] : memref<8x512x768xf32, #tpu.memory_space<hbm>> -> memref<1x16x768xf32, #tpu.memory_space<hbm>>
    %dma_wait3A_19 = tpu.memref_squeeze %dma_wait3A_18 : memref<1x16x768xf32, #tpu.memory_space<hbm>> -> memref<16x768xf32, #tpu.memory_space<hbm>>
    %dma_wait3A_20 = arith.constant 0 : i32
    %dma_wait3A_21 = tpu.memref_slice %arg4[%dma_wait3A, %mul3A_16, %dma_wait3A_20] : memref<8x512x768xf32, #tpu.memory_space<hbm>> -> memref<1x16x768xf32, #tpu.memory_space<hbm>>
    %dma_wait3A_22 = tpu.memref_squeeze %dma_wait3A_21 : memref<1x16x768xf32, #tpu.memory_space<hbm>> -> memref<16x768xf32, #tpu.memory_space<hbm>>
    tpu.wait_dma2 semaphore(%arg16 : memref<!tpu.dma_semaphore, #tpu.memory_space<semaphore_mem>>) src(%arg8 : memref<16x768xf32, #tpu.memory_space<vmem>>) dst(%dma_wait3A_22 : memref<16x768xf32, #tpu.memory_space<hbm>>)
    %mul3A_23 = arith.constant 16 : i32
    %mul3A_24 = arith.muli %add3A, %mul3A_23 : i32
    %dma_wait3A_25 = arith.constant 0 : i32
    %dma_wait3A_26 = arith.constant 0 : i32
    %dma_wait3A_27 = tpu.memref_slice %arg4[%dma_wait3A_25, %mul3A_24, %dma_wait3A_26] : memref<8x512x768xf32, #tpu.memory_space<hbm>> -> memref<1x16x768xf32, #tpu.memory_space<hbm>>
    %dma_wait3A_28 = tpu.memref_squeeze %dma_wait3A_27 : memref<1x16x768xf32, #tpu.memory_space<hbm>> -> memref<16x768xf32, #tpu.memory_space<hbm>>
    %dma_wait3A_29 = arith.constant 0 : i32
    %dma_wait3A_30 = tpu.memref_slice %arg4[%dma_wait3A_25, %mul3A_24, %dma_wait3A_29] : memref<8x512x768xf32, #tpu.memory_space<hbm>> -> memref<1x16x768xf32, #tpu.memory_space<hbm>>
    %dma_wait3A_31 = tpu.memref_squeeze %dma_wait3A_30 : memref<1x16x768xf32, #tpu.memory_space<hbm>> -> memref<16x768xf32, #tpu.memory_space<hbm>>
    tpu.wait_dma2 semaphore(%arg17 : memref<!tpu.dma_semaphore, #tpu.memory_space<semaphore_mem>>) src(%arg9 : memref<16x768xf32, #tpu.memory_space<vmem>>) dst(%dma_wait3A_31 : memref<16x768xf32, #tpu.memory_space<hbm>>)
    return
  }
}

module attributes {stable_mosaic.version = 14 : i64} {
  func.func @_ln_block(%arg0: i32, %arg1: memref<4x512x768xf32, #tpu.memory_space<vmem>>, %arg2: memref<512x768xf32, #tpu.memory_space<vmem>>, %arg3: memref<1x768xf32, #tpu.memory_space<vmem>>, %arg4: memref<1x768xf32, #tpu.memory_space<vmem>>, %arg5: memref<4x512x768xf32, #tpu.memory_space<vmem>>) attributes {dimension_semantics = [#tpu.dimension_semantics<arbitrary>], iteration_bounds = array<i64: 2>, scalar_prefetch = 0 : i64, scratch_operands = 0 : i64, tpu.core_type = #tpu.core_type<tc>, window_params = [{transform_indices = @transform_0, window_bounds = array<i64: 4, 512, 768>}, {pipeline_mode = #tpu.pipeline_mode<synchronous>, transform_indices = @transform_1, window_bounds = array<i64: 512, 768>}, {pipeline_mode = #tpu.pipeline_mode<synchronous>, transform_indices = @transform_2, window_bounds = array<i64: 1, 768>}, {pipeline_mode = #tpu.pipeline_mode<synchronous>, transform_indices = @transform_3, window_bounds = array<i64: 1, 768>}, {transform_indices = @transform_4, window_bounds = array<i64: 4, 512, 768>}]} {
    %get3A = arith.constant 0 : index
    %get3A_0 = arith.constant 0 : index
    %get3A_1 = arith.constant 0 : index
    %get3A_2 = vector.load %arg1[%get3A, %get3A_0, %get3A_1] : memref<4x512x768xf32, #tpu.memory_space<vmem>>, vector<4x512x768xf32>
    %get3A_3 = arith.constant 0 : index
    %get3A_4 = arith.constant 0 : index
    %get3A_5 = vector.load %arg2[%get3A_3, %get3A_4] : memref<512x768xf32, #tpu.memory_space<vmem>>, vector<512x768xf32>
    %broadcast_in_dim3A = vector.shape_cast %get3A_5 : vector<512x768xf32> to vector<1x512x768xf32>
    %add3A = vector.broadcast %broadcast_in_dim3A : vector<1x512x768xf32> to vector<4x512x768xf32>
    %add3A_6 = arith.addf %get3A_2, %add3A : vector<4x512x768xf32>
    %reduce_sum3A = arith.constant dense<0.000000e+00> : vector<4x512xf32>
    %reduce_sum3A_7 = vector.multi_reduction <add>, %add3A_6, %reduce_sum3A [2] : vector<4x512x768xf32> to vector<4x512xf32>
    %broadcast_in_dim3A_8 = vector.shape_cast %reduce_sum3A_7 : vector<4x512xf32> to vector<4x512x1xf32>
    %div3A = arith.constant 7.680000e+02 : f32
    %div3A_9 = vector.broadcast %div3A : f32 to vector<4x512x1xf32>
    %div3A_10 = arith.divf %broadcast_in_dim3A_8, %div3A_9 : vector<4x512x1xf32>
    %sub3A = vector.broadcast %div3A_10 : vector<4x512x1xf32> to vector<4x512x768xf32>
    %sub3A_11 = arith.subf %add3A_6, %sub3A : vector<4x512x768xf32>
    %mul3A = arith.mulf %sub3A_11, %sub3A_11 : vector<4x512x768xf32>
    %reduce_sum3A_12 = arith.constant dense<0.000000e+00> : vector<4x512xf32>
    %reduce_sum3A_13 = vector.multi_reduction <add>, %mul3A, %reduce_sum3A_12 [2] : vector<4x512x768xf32> to vector<4x512xf32>
    %broadcast_in_dim3A_14 = vector.shape_cast %reduce_sum3A_13 : vector<4x512xf32> to vector<4x512x1xf32>
    %div3A_15 = arith.constant 7.680000e+02 : f32
    %div3A_16 = vector.broadcast %div3A_15 : f32 to vector<4x512x1xf32>
    %div3A_17 = arith.divf %broadcast_in_dim3A_14, %div3A_16 : vector<4x512x1xf32>
    %add3A_18 = arith.constant 9.99999996E-13 : f32
    %add3A_19 = vector.broadcast %add3A_18 : f32 to vector<4x512x1xf32>
    %add3A_20 = arith.addf %div3A_17, %add3A_19 : vector<4x512x1xf32>
    %rsqrt3A = math.rsqrt %add3A_20 : vector<4x512x1xf32>
    %mul3A_21 = vector.broadcast %rsqrt3A : vector<4x512x1xf32> to vector<4x512x768xf32>
    %mul3A_22 = arith.mulf %sub3A_11, %mul3A_21 : vector<4x512x768xf32>
    %get3A_23 = arith.constant 0 : index
    %get3A_24 = arith.constant 0 : index
    %get3A_25 = vector.load %arg3[%get3A_23, %get3A_24] : memref<1x768xf32, #tpu.memory_space<vmem>>, vector<1x768xf32>
    %broadcast_in_dim3A_26 = vector.shape_cast %get3A_25 : vector<1x768xf32> to vector<1x1x768xf32>
    %mul3A_27 = vector.broadcast %broadcast_in_dim3A_26 : vector<1x1x768xf32> to vector<4x512x768xf32>
    %mul3A_28 = arith.mulf %mul3A_22, %mul3A_27 : vector<4x512x768xf32>
    %get3A_29 = arith.constant 0 : index
    %get3A_30 = arith.constant 0 : index
    %get3A_31 = vector.load %arg4[%get3A_29, %get3A_30] : memref<1x768xf32, #tpu.memory_space<vmem>>, vector<1x768xf32>
    %broadcast_in_dim3A_32 = vector.shape_cast %get3A_31 : vector<1x768xf32> to vector<1x1x768xf32>
    %add3A_33 = vector.broadcast %broadcast_in_dim3A_32 : vector<1x1x768xf32> to vector<4x512x768xf32>
    %add3A_34 = arith.addf %mul3A_28, %add3A_33 : vector<4x512x768xf32>
    %swap3A = arith.constant 0 : index
    %swap3A_35 = arith.constant 0 : index
    %swap3A_36 = arith.constant 0 : index
    %swap3A_37 = vector.load %arg5[%swap3A, %swap3A_35, %swap3A_36] : memref<4x512x768xf32, #tpu.memory_space<vmem>>, vector<4x512x768xf32>
    tpu.vector_store %arg5[%swap3A, %swap3A_35, %swap3A_36], %add3A_34 {strides = array<i32>} : memref<4x512x768xf32, #tpu.memory_space<vmem>>, vector<4x512x768xf32>,
    return
  }
  func.func @transform_0(%arg0: i32) -> (i32, i32, i32) {
    %c0_i32 = arith.constant 0 : i32
    %c0_i32_0 = arith.constant 0 : i32
    %c0_i32_1 = arith.constant 0 : i32
    return %arg0, %c0_i32, %c0_i32_0 : i32, i32, i32
  }
  func.func @transform_1(%arg0: i32) -> (i32, i32) {
    %c0_i32 = arith.constant 0 : i32
    %c0_i32_0 = arith.constant 0 : i32
    %c0_i32_1 = arith.constant 0 : i32
    return %c0_i32, %c0_i32_0 : i32, i32
  }
  func.func @transform_2(%arg0: i32) -> (i32, i32) {
    %c0_i32 = arith.constant 0 : i32
    %c0_i32_0 = arith.constant 0 : i32
    %c0_i32_1 = arith.constant 0 : i32
    return %c0_i32, %c0_i32_0 : i32, i32
  }
  func.func @transform_3(%arg0: i32) -> (i32, i32) {
    %c0_i32 = arith.constant 0 : i32
    %c0_i32_0 = arith.constant 0 : i32
    %c0_i32_1 = arith.constant 0 : i32
    return %c0_i32, %c0_i32_0 : i32, i32
  }
  func.func @transform_4(%arg0: i32) -> (i32, i32, i32) {
    %add3A = arith.constant 0 : i32
    %add3A_0 = arith.addi %arg0, %add3A : i32
    %c0_i32 = arith.constant 0 : i32
    %c0_i32_1 = arith.constant 0 : i32
    %c0_i32_2 = arith.constant 0 : i32
    return %add3A_0, %c0_i32, %c0_i32_1 : i32, i32, i32
  }
}

module attributes {stable_mosaic.version = 14 : i64} {
  func.func @_ln_block(%arg0: i32, %arg1: memref<4x512x768xf32, #tpu.memory_space<vmem>>, %arg2: memref<512x768xf32, #tpu.memory_space<vmem>>, %arg3: memref<1x768xf32, #tpu.memory_space<vmem>>, %arg4: memref<1x768xf32, #tpu.memory_space<vmem>>, %arg5: memref<64x512x768xf32, #tpu.memory_space<hbm>>, %arg6: memref<4x512x768xf32, #tpu.memory_space<vmem>>) attributes {dimension_semantics = [#tpu.dimension_semantics<arbitrary>], iteration_bounds = array<i64: 14>, scalar_prefetch = 0 : i64, scratch_operands = 0 : i64, tpu.core_type = #tpu.core_type<tc>, window_params = [{transform_indices = @transform_0, window_bounds = array<i64: 4, 512, 768>}, {pipeline_mode = #tpu.pipeline_mode<synchronous>, transform_indices = @transform_1, window_bounds = array<i64: 512, 768>}, {pipeline_mode = #tpu.pipeline_mode<synchronous>, transform_indices = @transform_2, window_bounds = array<i64: 1, 768>}, {pipeline_mode = #tpu.pipeline_mode<synchronous>, transform_indices = @transform_3, window_bounds = array<i64: 1, 768>}, {}, {transform_indices = @transform_5, window_bounds = array<i64: 4, 512, 768>}]} {
    %get3A = arith.constant 0 : index
    %get3A_0 = arith.constant 0 : index
    %get3A_1 = arith.constant 0 : index
    %get3A_2 = vector.load %arg1[%get3A, %get3A_0, %get3A_1] : memref<4x512x768xf32, #tpu.memory_space<vmem>>, vector<4x512x768xf32>
    %get3A_3 = arith.constant 0 : index
    %get3A_4 = arith.constant 0 : index
    %get3A_5 = vector.load %arg2[%get3A_3, %get3A_4] : memref<512x768xf32, #tpu.memory_space<vmem>>, vector<512x768xf32>
    %broadcast_in_dim3A = vector.shape_cast %get3A_5 : vector<512x768xf32> to vector<1x512x768xf32>
    %add3A = vector.broadcast %broadcast_in_dim3A : vector<1x512x768xf32> to vector<4x512x768xf32>
    %add3A_6 = arith.addf %get3A_2, %add3A : vector<4x512x768xf32>
    %reduce_sum3A = arith.constant dense<0.000000e+00> : vector<4x512xf32>
    %reduce_sum3A_7 = vector.multi_reduction <add>, %add3A_6, %reduce_sum3A [2] : vector<4x512x768xf32> to vector<4x512xf32>
    %broadcast_in_dim3A_8 = vector.shape_cast %reduce_sum3A_7 : vector<4x512xf32> to vector<4x512x1xf32>
    %div3A = arith.constant 7.680000e+02 : f32
    %div3A_9 = vector.broadcast %div3A : f32 to vector<4x512x1xf32>
    %div3A_10 = arith.divf %broadcast_in_dim3A_8, %div3A_9 : vector<4x512x1xf32>
    %sub3A = vector.broadcast %div3A_10 : vector<4x512x1xf32> to vector<4x512x768xf32>
    %sub3A_11 = arith.subf %add3A_6, %sub3A : vector<4x512x768xf32>
    %mul3A = arith.mulf %sub3A_11, %sub3A_11 : vector<4x512x768xf32>
    %reduce_sum3A_12 = arith.constant dense<0.000000e+00> : vector<4x512xf32>
    %reduce_sum3A_13 = vector.multi_reduction <add>, %mul3A, %reduce_sum3A_12 [2] : vector<4x512x768xf32> to vector<4x512xf32>
    %broadcast_in_dim3A_14 = vector.shape_cast %reduce_sum3A_13 : vector<4x512xf32> to vector<4x512x1xf32>
    %div3A_15 = arith.constant 7.680000e+02 : f32
    %div3A_16 = vector.broadcast %div3A_15 : f32 to vector<4x512x1xf32>
    %div3A_17 = arith.divf %broadcast_in_dim3A_14, %div3A_16 : vector<4x512x1xf32>
    %add3A_18 = arith.constant 9.99999996E-13 : f32
    %add3A_19 = vector.broadcast %add3A_18 : f32 to vector<4x512x1xf32>
    %add3A_20 = arith.addf %div3A_17, %add3A_19 : vector<4x512x1xf32>
    %rsqrt3A = math.rsqrt %add3A_20 : vector<4x512x1xf32>
    %mul3A_21 = vector.broadcast %rsqrt3A : vector<4x512x1xf32> to vector<4x512x768xf32>
    %mul3A_22 = arith.mulf %sub3A_11, %mul3A_21 : vector<4x512x768xf32>
    %get3A_23 = arith.constant 0 : index
    %get3A_24 = arith.constant 0 : index
    %get3A_25 = vector.load %arg3[%get3A_23, %get3A_24] : memref<1x768xf32, #tpu.memory_space<vmem>>, vector<1x768xf32>
    %broadcast_in_dim3A_26 = vector.shape_cast %get3A_25 : vector<1x768xf32> to vector<1x1x768xf32>
    %mul3A_27 = vector.broadcast %broadcast_in_dim3A_26 : vector<1x1x768xf32> to vector<4x512x768xf32>
    %mul3A_28 = arith.mulf %mul3A_22, %mul3A_27 : vector<4x512x768xf32>
    %get3A_29 = arith.constant 0 : index
    %get3A_30 = arith.constant 0 : index
    %get3A_31 = vector.load %arg4[%get3A_29, %get3A_30] : memref<1x768xf32, #tpu.memory_space<vmem>>, vector<1x768xf32>
    %broadcast_in_dim3A_32 = vector.shape_cast %get3A_31 : vector<1x768xf32> to vector<1x1x768xf32>
    %add3A_33 = vector.broadcast %broadcast_in_dim3A_32 : vector<1x1x768xf32> to vector<4x512x768xf32>
    %add3A_34 = arith.addf %mul3A_28, %add3A_33 : vector<4x512x768xf32>
    %swap3A = arith.constant 0 : index
    %swap3A_35 = arith.constant 0 : index
    %swap3A_36 = arith.constant 0 : index
    %swap3A_37 = vector.load %arg6[%swap3A, %swap3A_35, %swap3A_36] : memref<4x512x768xf32, #tpu.memory_space<vmem>>, vector<4x512x768xf32>
    tpu.vector_store %arg6[%swap3A, %swap3A_35, %swap3A_36], %add3A_34 {strides = array<i32>} : memref<4x512x768xf32, #tpu.memory_space<vmem>>, vector<4x512x768xf32>,
    return
  }
  func.func @transform_0(%arg0: i32) -> (i32, i32, i32) {
    %c0_i32 = arith.constant 0 : i32
    %c0_i32_0 = arith.constant 0 : i32
    %c0_i32_1 = arith.constant 0 : i32
    return %arg0, %c0_i32, %c0_i32_0 : i32, i32, i32
  }
  func.func @transform_1(%arg0: i32) -> (i32, i32) {
    %c0_i32 = arith.constant 0 : i32
    %c0_i32_0 = arith.constant 0 : i32
    %c0_i32_1 = arith.constant 0 : i32
    return %c0_i32, %c0_i32_0 : i32, i32
  }
  func.func @transform_2(%arg0: i32) -> (i32, i32) {
    %c0_i32 = arith.constant 0 : i32
    %c0_i32_0 = arith.constant 0 : i32
    %c0_i32_1 = arith.constant 0 : i32
    return %c0_i32, %c0_i32_0 : i32, i32
  }
  func.func @transform_3(%arg0: i32) -> (i32, i32) {
    %c0_i32 = arith.constant 0 : i32
    %c0_i32_0 = arith.constant 0 : i32
    %c0_i32_1 = arith.constant 0 : i32
    return %c0_i32, %c0_i32_0 : i32, i32
  }
  func.func @transform_5(%arg0: i32) -> (i32, i32, i32) {
    %add3A = arith.constant 2 : i32
    %add3A_0 = arith.addi %arg0, %add3A : i32
    %c0_i32 = arith.constant 0 : i32
    %c0_i32_1 = arith.constant 0 : i32
    %c0_i32_2 = arith.constant 0 : i32
    return %add3A_0, %c0_i32, %c0_i32_1 : i32, i32, i32
  }
}

</mosaic_0001>

<sc_bundles>
// kernel: _run.6.cloned.1.call-start
scs
__scs_entry_jumppad:
0x0: {  	(pc) =	sbr.rel $0x88, $3  }
0x1: {  	(tag) =	ssettag $0x0;
	lr =	simm.s32 $0x1  }
0x2: {  	[smem:$0x3F9B] =	sst lr;
	_ =	strace $0xD0000000  }
0x3: {  	_ = 	snop  }
0x4: {  	_ = 	snop  }
0x5: {  	_ = 	snop  }
0x6: {  	_ = 	snop  }
0x7: {  	_ = 	snop  }
__scs_overlays_trampoline_lowered:
0x8: {  	[smem:$0x3FAA] =	sst s0  }
0x9: {  	[smem:$0x3FAB] =	sst s1  }
0xa: {  	[smem:$0x3FAC] =	sst s2  }
0xb: {  	[smem:$0x3FAD] =	sst s3  }
0xc: {  	[smem:$0x3FAE] =	sst s4  }
0xd: {  	[smem:$0x3FAF] =	sst s5  }
0xe: {  	[smem:$0x3FB0] =	sst s6  }
0xf: {  	[smem:$0x3FB1] =	sst s7  }
0x10: {  	[smem:$0x3FB2] =	sst s8  }
0x11: {  	[smem:$0x3FB3] =	sst s9;
	s0 =	simm.s32 @!p0 $0x0  }
0x12: {  	s1 =	sld [smem:$0x3F99];
	s0 =	simm.s32 @p0 $0x1  }
0x13: {  	[smem:$0x3FB4] =	sst s0;
	s0 =	simm.s32 @!p1 $0x0  }
0x14: {  	s2 =	sld [smem:$0x3F98];
	s0 =	simm.s32 @p1 $0x1  }
0x15: {  	[smem:$0x3FB5] =	sst s0;
	s0 =	simm.s32 @!p2 $0x0  }
0x16: {  	s3 =	sld [smem:$0x3FDB];
	s0 =	simm.s32 @p2 $0x1  }
0x17: {  	s4 =	simm.s32 $0x1BF5;
	[smem:$0x3FB7] =	sst s0  }
0x18: {  	s0 =	sld [smem:$0x3F9A];
	_ =	swait.ge [sflag:s4], $0x0  }
0x19: {  	s7 =	sld [smem:$0x3F9B]  }
0x1a: {  	s8 =	sadd.s32 $0xFFFFE003, lr  }
0x1b: {  	s9 =	sadd.s32 $0xFFFFFEF7, lr;
	s5 =	simm.s32 $0xFFFFFFFF;
	p2 =	slt.u32 s8, $0xFFFFF086  }
0x1c: {  	p1 =	slt.u32 s9, $0xF7A;
	s5 =	simm.s32 @!p2 $0x0  }
0x1d: {  	s5 =	simm.s32 @p1 $0x1;
	p0 =	seq.s32 s7, s2  }
0x1e: {  	s7 =	smul.u32 @!p0 $0xF7A, s2;
	p2 =	seq.s32 @!p0 s5, $0x0  }
0x1f: {  	s9 =	smul.u32 $0xF7A, s1;
	s8 =	simm.s32 @!p0 $0x1BF5;
	p2 =	por !p2, p0  }
0x20: {  	[sflag:s8] =	ssyncset.s32 @!p0 $0xFFFFF086;
	s6 =	sadd.s32 @!p0 s3, s7;
	s7 =	simm.s32 @!p0 $0x108  }
0x21: {  	s3 =	sadd.s32 s3, s9;
	s6 =	sadd.s32 @!p0 $0x88, s6;
	s7 =	simm.s32 @p2 $0x1082  }
0x22: {  	[simem:s7], [sflag:s8] =	dma.local @!p0 [hbm:s6], $0xF7A  }
0x23: {  	s9 =	sor.u32 $0xD0000000, s2;
	s6 =	simm.s32 $0x108;
	_ =	swait.ge @!p0 [sflag:s8], $0x0  }
0x24: {  	s3 =	sadd.s32 $0x88, s3;
	s6 =	simm.s32 @!p1 $0x1082;
	[sflag:s4] =	ssyncset.s32 $0xFFFFF086  }
0x25: {  	[simem:s6], [sflag:s4] =	dma.local [hbm:s3], $0xF7A  }
0x26: {  	[smem:$0x3F9B] =	sst s1;
	(tag) =	ssettag s2;
	_ =	strace s9  }
0x27: {  	s1 =	sld [smem:$0x3FAB]  }
0x28: {  	s2 =	sld [smem:$0x3FAC]  }
0x29: {  	s4 =	sld [smem:$0x3FAE]  }
0x2a: {  	p0 =	seq.s32 s5, $0x0;
	s5 =	sld [smem:$0x3FAF]  }
0x2b: {  	s6 =	sld [smem:$0x3FB0]  }
0x2c: {  	s7 =	sld [smem:$0x3FB1]  }
0x2d: {  	s3 =	simm.s32 $0x108;
	s8 =	sld [smem:$0x3FB2]  }
0x2e: {  	s3 =	simm.s32 @!p0 $0x1082;
	s9 =	sld [smem:$0x3FB3]  }
0x2f: {  	lr =	sadd.s32 s0, s3;
	s0 =	sld [smem:$0x3FAA]  }
0x30: {  	s3 =	sld [smem:$0x3FAD]  }
0x31: {  	[smem:$0x3FB6] =	sst s10  }
0x32: {  	s10 =	sld [smem:$0x3FB4];
	_ =	sdelay $0x3  }
0x33: {  	p0 =	seq.s32 s10, $0x1;
	s10 =	sld [smem:$0x3FB6];
	_ =	sdelay $0x3  }
0x34: {  	[smem:$0x3FB6] =	sst s10  }
0x35: {  	s10 =	sld [smem:$0x3FB5];
	_ =	sdelay $0x3  }
0x36: {  	p1 =	seq.s32 s10, $0x1;
	s10 =	sld [smem:$0x3FB6];
	_ =	sdelay $0x3  }
0x37: {  	[smem:$0x3FB6] =	sst s10  }
0x38: {  	s10 =	sld [smem:$0x3FB7]  }
0x39: {  	_ = 	snop;
	(pc) =	sbr.ind lr, $3  }
0x3a: {  	_ = 	snop  }
0x3b: {  	_ = 	snop  }
0x3c: {  	p2 =	seq.s32 s10, $0x1;
	s10 =	sld [smem:$0x3FB6]  }
0x3d: {  	_ =	shalt  }
0x3e: {  	_ =	shalt  }
0x3f: {  	_ =	shalt  }
0x40: {  	_ =	shalt  }
0x41: {  	_ =	shalt  }
0x42: {  	_ =	shalt  }
0x43: {  	_ =	shalt  }
0x44: {  	_ =	shalt  }
0x45: {  	_ =	shalt  }
0x46: {  	_ =	shalt  }
0x47: {  	_ =	shalt  }
0x48: {  	_ =	shalt  }
0x49: {  	_ =	shalt  }
0x4a: {  	_ =	shalt  }
0x4b: {  	_ =	shalt  }
0x4c: {  	_ =	shalt  }
0x4d: {  	_ =	shalt  }
0x4e: {  	_ =	shalt  }
0x4f: {  	_ =	shalt  }
0x50: {  	_ =	shalt  }
0x51: {  	_ =	shalt  }
0x52: {  	_ =	shalt  }
0x53: {  	_ =	shalt  }
0x54: {  	_ =	shalt  }
0x55: {  	_ =	shalt  }
0x56: {  	_ =	shalt  }
0x57: {  	_ =	shalt  }
0x58: {  	_ =	shalt  }
0x59: {  	_ =	shalt  }
0x5a: {  	_ =	shalt  }
0x5b: {  	_ =	shalt  }
0x5c: {  	_ =	shalt  }
0x5d: {  	_ =	shalt  }
0x5e: {  	_ =	shalt  }
0x5f: {  	_ =	shalt  }
0x60: {  	_ =	shalt  }
0x61: {  	_ =	shalt  }
0x62: {  	_ =	shalt  }
0x63: {  	_ =	shalt  }
0x64: {  	_ =	shalt  }
0x65: {  	_ =	shalt  }
0x66: {  	_ =	shalt  }
0x67: {  	_ =	shalt  }
0x68: {  	_ =	shalt  }
0x69: {  	_ =	shalt  }
0x6a: {  	_ =	shalt  }
0x6b: {  	_ =	shalt  }
0x6c: {  	_ =	shalt  }
0x6d: {  	_ =	shalt  }
0x6e: {  	_ =	shalt  }
0x6f: {  	_ =	shalt  }
0x70: {  	_ =	shalt  }
0x71: {  	_ =	shalt  }
0x72: {  	_ =	shalt  }
0x73: {  	_ =	shalt  }
0x74: {  	_ =	shalt  }
0x75: {  	_ =	shalt  }
0x76: {  	_ =	shalt  }
0x77: {  	_ =	shalt  }
0x78: {  	_ =	shalt  }
0x79: {  	_ =	shalt  }
0x7a: {  	_ =	shalt  }
0x7b: {  	_ =	shalt  }
0x7c: {  	_ =	shalt  }
0x7d: {  	_ =	shalt  }
0x7e: {  	_ =	shalt  }
0x7f: {  	_ =	shalt  }
0x80: {  	_ =	shalt  }
0x81: {  	_ =	shalt  }
0x82: {  	_ =	shalt  }
0x83: {  	_ =	shalt  }
0x84: {  	_ =	shalt  }
0x85: {  	_ =	shalt  }
0x86: {  	_ =	shalt  }
0x87: {  	_ =	shalt  }
.Lfunc_end0:
.L_simem_size_0:
called_computation_lowered:
.L_overlay_start_0:
0x88: {  	s2 =	sld [smem:$0x3FD9]  }
0x89: {  	s3 =	sld [smem:$0x3FFE];
	_ =	sdelay $0x1  }
0x8a: {  	s1 =	srdreg.scid  }
0x8b: {  	s0 =	sand.u32 $0x1, s1  }
0x8c: {  	s18 =	sshll.u32 s0, $0xA;
	s2 =	sadd.s32 s3, s2  }
0x8d: {  	s2 =	sadd.s32 s2, s18  }
0x8e: {  	[smem:$0x3FC2] =	sst s2  }
0x8f: {  	_ = 	snop  }
0x90: {  	s2 =	sld [smem:$0x3FC9]  }
0x91: {  	s19 =	sld [smem:$0x3FC5]  }
0x92: {  	s4 =	sld [smem:$0x3FD0];
	(tm) =	ssettm $0x1  }
0x93: {  	s5 =	sld [smem:$0x3FFB];
	_ =	sdelay $0x3  }
0x94: {  	_ =	strace s5  }
0x95: {  	s5 =	sld [smem:$0x3FFC];
	_ =	sdelay $0x3  }
0x96: {  	_ =	strace s5  }
0x97: {  	s5 =	sld [smem:$0x3FFD];
	_ =	sdelay $0x3  }
0x98: {  	_ =	strace s5  }
0x99: {  	_ =	strace $0x8FFFFFFF  }
0x9a: {  	s20 =	sld [smem:$0x3FDB];
	_ =	sdelay $0x1  }
0x9b: {  	s6 =	simm.s32 $_scs_section_size  }
0x9c: {  	s7 =	simm.s32 $_size__tile_overlayer_lowered;
	s8 =	simm.s32 $_tile_overlayer_lowered  }
0x9d: {  	s23 =	simm.s32 $0x1BFF;
	s22 =	sshll.u32 s8, $0x1;
	s5 =	sadd.s32 s6, s20  }
0x9e: {  	s9 =	simm.s32 $0x0;
	s21 =	sshll.u32 s7, $0x1;
	s7 =	sadd.s32 s22, s5  }
0x9f: {  	[timem:s9], [sflag:s23] =	dma.local [hbm:s7], s21  }
0xa0: {  	_ =	swait.ge [sflag:s23], s21  }
0xa1: {  	s6 =	ssub.s32 $0x0, s21;
	[sflag:s23] =	ssyncset.done $0x0  }
0xa2: {  	[sflag:s23] =	ssyncadd.s32 s6;
	_ =	sdelay $0x1  }
0xa3: {  	s24 =	simm.s32 $0x1B8B  }
0xa4: {  	_ =	swait.ge [sflag:s24], $0x1  }
0xa5: {  	[sflag:s24] =	ssyncset.done $0x0  }
0xa6: {  	s25 =	simm.s32 $0x1B8E;
	[sflag:s24] =	ssyncadd.s32 $0xFFFFFFFF  }
0xa7: {  	s26 =	simm.s32 $execute0_lowered;
	[smem:$0x3FD2] =	sst s25  }
0xa8: {  	s6 =	sshll.u32 s26, $0x1;
	_ =	strace $0x80000046;
	[dreg:$0x1] =	wrdreg $0xFFFFFFFF  }
0xa9: {  	s28 =	simm.s32 $_size_execute0_lowered;
	s5 =	sadd.s32 s5, s6;
	[dreg:$0x0] =	wrdreg $0x0  }
0xaa: {  	s6 =	sshll.u32 s28, $0x1;
	[dreg:$0x2] =	wrdreg s5  }
0xab: {  	[dreg:$0x3] =	wrdreg s6  }
0xac: {  	[dreg:$0x4] =	wrdreg $0xC0  }
0xad: {  	_ =	task [dreg:s9], $0x5FFFF  }
0xae: {  	[dreg:$0x1] =	wrdreg $0xFFFFFFFF  }
0xaf: {  	[dreg:$0x0] =	wrdreg $0x60  }
0xb0: {  	[dreg:$0x2] =	wrdreg s19  }
0xb1: {  	[dreg:$0x3] =	wrdreg s2  }
0xb2: {  	[dreg:$0x4] =	wrdreg s4  }
0xb3: {  	[dreg:$0x5] =	wrdreg $0x9  }
0xb4: {  	_ =	task.clear_ibuf [dreg:s9], $0x6FFFF;
	_ =	strace $0x90000046  }
0xb5: {  	s29 =	simm.s32 $0x9;
	_ =	strace $0x80000048  }
0xb6: {  	_ =	swait.ge [sflag:s29], $0x1  }
0xb7: {  	[sflag:s29] =	ssyncadd.s32 $0xFFFFFFFF  }
0xb8: {  	_ =	strace $0x90000048  }
0xb9: {  	_ =	sfence  }
0xba: {  	s30 =	sld [smem:$0x0];
	_ =	sdelay $0x2  }
0xbb: {  	s31 =	sshll.u32 s1, $0xD;
	s1 =	sshrl.u32 s1, $0x2  }
0xbc: {  	s3 =	sand.u32 $0x4000, s31;
	s1 =	sadd.s32 s1, s30  }
0xbd: {  	s0 =	sor.u32 s3, s0;
	s1 =	sshll.u32 s1, $0x11  }
0xbe: {  	s0 =	sor.u32 s1, s0  }
0xbf: {  	s0 =	sadd.s32 $0x8F2B, s0  }
0xc0: {  	[sflag:s0] =	ssyncadd.remote.s32 $0x1  }
0xc1: {  	_ =	sfence.sel $0xFFFF  }
0xc2: {  	[dreg:$0x0] =	wrdreg $0xFFFFFFFF;
	(pc) =	sbr.abs _section_cstart, $3  }
0xc3: {  	[dreg:$0x1] =	wrdreg $0xFFFFFFFF  }
0xc4: {  	_ =	task.clear_ibuf [dreg:s9], $0x2FFFF;
	_ =	strace $0x9FFFFFFF  }
0xc5: {  	(tm) =	ssettm $0x7FFFFFFF  }
tec
execute0_lowered:
.L_overlay_start_1:
0x0: {  	(tag) =	ssettag $0x1  }
0x1: {  	s0 =	rddreg [dreg:$0x0]  }
0x2: {  	s1 =	rddreg [dreg:$0x1]  }
0x3: {  	s3 =	rddreg [dreg:$0x2];
	s2 =	srdreg.scid;
	s4 =	simm.s32 $0x0  }
0x4: {  	s6 =	stileid.u32;
	s22 =	simm.s32 $0x80;
	s18 =	simm.s32 $0x3080  }
0x5: {  	s21 =	simm.s32 $0x3880;
	s23 =	simm.s32 $0x4080;
	s10 =	simm.s32 $0x5  }
0x6: {  	s11 =	simm.s32 $0x4;
	s12 =	simm.s32 $0x6;
	s14 =	simm.s32 $0x0  }
0x7: {  	s30 =	simm.s32 $0x6880;
	s31 =	simm.s32 $0x7080;
	s15 =	simm.s32 $0x8880  }
0x8: {  	s16 =	simm.s32 $0x9880;
	s17 =	simm.s32 $0xA080;
	s28 =	simm.s32 $0xB080  }
0x9: {  	s29 =	simm.s32 $0xB880;
	s2 =	sand.u32 $0x1, s2;
	[smem:$0x7FF] =	sst s4  }
0xa: {  	s6 =	sshll.u32 s6, $0x1;
	s8 =	sadd.s32 $0x200, s1;
	s5 =	ssub.s32 $0x2, s2  }
0xb: {  	_ =	strace $0x80000047;
	s2 =	sor.u32 s2, s6;
	s7 =	sshrl.u32 s5, $0x1  }
0xc: {  	s6 =	simm.s32 $0x3;
	s25 =	sshll.u32 s2, $0x4;
	s24 =	ssub.s32 s5, s7  }
0xd: {  	s5 =	smul.u32 $0x3000, s2;
	s0 =	sadd.s32 s0, s25;
	s7 =	sadd.s32 $0x100, s1  }
0xe: {  	v2 =	vlaneseq.u32;
	s25 =	simm.s32 $0x6080;
	s2 =	simm.s32 $0x9080;
	[dreg:$0x4] =	wrdreg s0  }
0xf: {  	vm0 =	vmmov $0xffff;
	v1 =	vshrl.u32 v2, $0x3;
	s26 =	smax.u32 s24, $0x1;
	s24 =	simm.s32 $0x1;
	s0 =	simm.s32 $0x2  }
0x10: {  	v0 =	vand.u32 $0x7, v2;
	v2 =	vor.u32 $0x8, v2;
	v1 =	vmul.u32 $0x8, v1;
	s9 =	sadd.s32 $0x60000, s5;
	[dreg:$0x5] =	wrdreg s26;
	s26 =	simm.s32 $0xA880  }
.LBB2_1:
0x11: {  	[dreg:$0x6] =	wrdreg s14  }
0x12: {  	s19 =	rddreg [dreg:$0x4];
	s13 =	simm.s32 $0x9  }
0x13: {  	[tilespmem:s4], [sflag:$0x9] =	stream.linear.gather [hbm4b:s19+s4], $0x80, $0x38;
	[tilespmem:$0xC080] =	vst v63  }
0x14: {  	_ =	swait.ge [sflag:s13], $0x80  }
0x15: {  	[sflag:s13] =	ssyncset.done $0x0  }
0x16: {  	[sflag:s13] =	ssyncadd.s32 $0xFFFFFF80  }
0x17: {  	v3 =	vld [tilespmem:$0x0];
	_ =	sdelay $0x4  }
0x18: {  	v4 =	vshrl.u32 v3, $0x3  }
0x19: {  	v4 =	vmul.u32 $0x30, v4  }
0x1a: {  	v3 =	vand.u32 $0x7, v3  }
0x1b: {  	v3 =	vor.u32 v3, v4  }
0x1c: {  	v4 =	vperm.xlane v3, v0;
	_ =	sdelay $0x1  }
0x1d: {  	v4 =	vadd.s32 v1, v4;
	_ =	sdelay $0x3  }
0x1e: {  	v3 =	vperm.xlane v3, v2  }
0x1f: {  	[tilespmem:s22], [sflag:$0x1] =	stream.indirect_vreg.gather [hbm4b:s1+s4], $0x80, v4, vm0, $0xb8;
	[tilespmem:$0xC080] =	vst v63  }
0x20: {  	s14 =	simm.s32 $0x880;
	v3 =	vadd.s32 v1, v3  }
0x21: {  	[tilespmem:s14], [sflag:$0x1] =	stream.indirect_vreg.gather [hbm4b:s7+s4], $0x80, v4, vm0, $0xb8;
	[tilespmem:$0xC080] =	vst v63  }
0x22: {  	s20 =	simm.s32 $0x1080  }
0x23: {  	[tilespmem:s20], [sflag:$0x1] =	stream.indirect_vreg.gather [hbm4b:s8+s4], $0x80, v4, vm0, $0xb8;
	[tilespmem:$0xC080] =	vst v63  }
0x24: {  	s13 =	simm.s32 $0x1880  }
0x25: {  	[tilespmem:s13], [sflag:$0x1] =	stream.indirect_vreg.gather [hbm4b:s1+s4], $0x80, v3, vm0, $0xb8;
	[tilespmem:$0xC080] =	vst v63  }
0x26: {  	s14 =	simm.s32 $0x2080  }
0x27: {  	[tilespmem:s14], [sflag:$0x1] =	stream.indirect_vreg.gather [hbm4b:s7+s4], $0x80, v3, vm0, $0xb8;
	[tilespmem:$0xC080] =	vst v63  }
0x28: {  	p1 =	por $0x1, $0x1;
	s19 =	simm.s32 $0x0;
	s20 =	simm.s32 $0x2880  }
0x29: {  	[tilespmem:s20], [sflag:$0x1] =	stream.indirect_vreg.gather [hbm4b:s8+s4], $0x80, v3, vm0, $0xb8;
	[tilespmem:$0xC080] =	vst v63  }
0x2a: {  	s13 =	simm.s32 $0x7880;
	s14 =	simm.s32 $0x8080;
	s20 =	simm.s32 $0x10  }
.LBB2_2:
0x2b: {  	v3 =	vld [tilespmem:s20+$0x0];
	_ =	sdelay $0x4  }
0x2c: {  	v4 =	vshrl.u32 v3, $0x3  }
0x2d: {  	v4 =	vmul.u32 $0x30, v4  }
0x2e: {  	v3 =	vand.u32 $0x7, v3  }
0x2f: {  	v3 =	vor.u32 v3, v4  }
0x30: {  	v4 =	vperm.xlane v3, v0;
	_ =	sdelay $0x1  }
0x31: {  	v4 =	vadd.s32 v1, v4;
	_ =	sdelay $0x3  }
0x32: {  	v3 =	vperm.xlane v3, v2  }
0x33: {  	[tilespmem:s18], [sflag:$0x2] =	stream.indirect_vreg.gather [hbm4b:s1+s4], $0x80, v4, vm0, $0xb8;
	[tilespmem:$0xC080] =	vst v63  }
0x34: {  	v3 =	vadd.s32 v1, v3  }
0x35: {  	[tilespmem:s21], [sflag:$0x2] =	stream.indirect_vreg.gather [hbm4b:s7+s4], $0x80, v4, vm0, $0xb8;
	[tilespmem:$0xC080] =	vst v63  }
0x36: {  	_ = 	snop  }
0x37: {  	[tilespmem:s23], [sflag:$0x2] =	stream.indirect_vreg.gather [hbm4b:s8+s4], $0x80, v4, vm0, $0xb8;
	[tilespmem:$0xC080] =	vst v63  }
0x38: {  	s23 =	simm.s32 $0x4880  }
0x39: {  	[tilespmem:s23], [sflag:$0x2] =	stream.indirect_vreg.gather [hbm4b:s1+s4], $0x80, v3, vm0, $0xb8;
	[tilespmem:$0xC080] =	vst v63  }
0x3a: {  	s21 =	simm.s32 $0x5080  }
0x3b: {  	[tilespmem:s21], [sflag:$0x2] =	stream.indirect_vreg.gather [hbm4b:s7+s4], $0x80, v3, vm0, $0xb8;
	[tilespmem:$0xC080] =	vst v63  }
0x3c: {  	s20 =	smul.u32 $0x180000, s19;
	s23 =	simm.s32 $0x5880  }
0x3d: {  	[tilespmem:s23], [sflag:$0x2] =	stream.indirect_vreg.gather [hbm4b:s8+s4], $0x80, v3, vm0, $0xb8;
	[tilespmem:$0xC080] =	vst v63  }
0x3e: {  	s23 =	sor.u32 s5, s20;
	_ =	swait.ge [sflag:s24], $0x3000  }
0x3f: {  	s21 =	sshrl.u32 s23, $0x3;
	[sflag:s24] =	ssyncset.done $0x0  }
0x40: {  	s21 =	sadd.s32 s3, s21;
	[sflag:s24] =	ssyncadd.s32 $0xFFFFD000  }
0x41: {  	[hbm4b:s21+s4] =	stream.linear.scatter [tilespmem:s22], [sflag:$0x5], $0x3000, $0x38;
	[tilespmem:$0xC080] =	vst v63  }
0x42: {  	s19 =	sshll.u32 s19, $0x2;
	s21 =	simm.s32 @!p1 $0x7  }
0x43: {  	s22 =	sor.u32 $0x2, s19;
	_ =	swait.ge @!p1 [sflag:s21], $0x3000  }
0x44: {  	s23 =	sshll.u32 s22, $0x4;
	[sflag:s21] =	ssyncset.done @!p1 $0x0  }
0x45: {  	[sflag:s21] =	ssyncadd.s32 @!p1 $0xFFFFD000;
	s21 =	sand.u32 $0x3FFFFFF0, s23  }
0x46: {  	v3 =	vld [tilespmem:s21+$0x0];
	_ =	sdelay $0x4  }
0x47: {  	v62 =	vshrl.u32 v3, $0x3  }
0x48: {  	v4 =	vmul.u32 $0x30, v62  }
0x49: {  	v3 =	vand.u32 $0x7, v3  }
0x4a: {  	v3 =	vor.u32 v3, v4  }
0x4b: {  	v4 =	vperm.xlane v3, v0;
	_ =	sdelay $0x1  }
0x4c: {  	v4 =	vadd.s32 v1, v4;
	_ =	sdelay $0x3  }
0x4d: {  	v3 =	vperm.xlane v3, v2  }
0x4e: {  	[tilespmem:s25], [sflag:$0x3] =	stream.indirect_vreg.gather [hbm4b:s1+s4], $0x80, v4, vm0, $0xb8;
	[tilespmem:$0xC080] =	vst v63  }
0x4f: {  	v3 =	vadd.s32 v1, v3  }
0x50: {  	[tilespmem:s30], [sflag:$0x3] =	stream.indirect_vreg.gather [hbm4b:s7+s4], $0x80, v4, vm0, $0xb8;
	[tilespmem:$0xC080] =	vst v63  }
0x51: {  	_ = 	snop  }
0x52: {  	[tilespmem:s31], [sflag:$0x3] =	stream.indirect_vreg.gather [hbm4b:s8+s4], $0x80, v4, vm0, $0xb8;
	[tilespmem:$0xC080] =	vst v63  }
0x53: {  	_ = 	snop  }
0x54: {  	[tilespmem:s13], [sflag:$0x3] =	stream.indirect_vreg.gather [hbm4b:s1+s4], $0x80, v3, vm0, $0xb8;
	[tilespmem:$0xC080] =	vst v63  }
0x55: {  	_ = 	snop  }
0x56: {  	[tilespmem:s14], [sflag:$0x3] =	stream.indirect_vreg.gather [hbm4b:s7+s4], $0x80, v3, vm0, $0xb8;
	[tilespmem:$0xC080] =	vst v63  }
0x57: {  	_ = 	snop  }
0x58: {  	[tilespmem:s15], [sflag:$0x3] =	stream.indirect_vreg.gather [hbm4b:s8+s4], $0x80, v3, vm0, $0xb8;
	[tilespmem:$0xC080] =	vst v63  }
0x59: {  	s20 =	sadd.s32 s20, s9;
	_ =	swait.ge [sflag:s0], $0x3000  }
0x5a: {  	s20 =	sshrl.u32 s20, $0x3;
	[sflag:s0] =	ssyncset.done $0x0  }
0x5b: {  	s20 =	sadd.s32 s3, s20;
	[sflag:s0] =	ssyncadd.s32 $0xFFFFD000  }
0x5c: {  	[hbm4b:s20+s4] =	stream.linear.scatter [tilespmem:s18], [sflag:$0x6], $0x3000, $0x38;
	[tilespmem:$0xC080] =	vst v63  }
0x5d: {  	s20 =	simm.s32 @!p1 $0x8  }
0x5e: {  	s19 =	sor.u32 $0x3, s19;
	_ =	swait.ge @!p1 [sflag:s20], $0x3000  }
0x5f: {  	s21 =	sshll.u32 s19, $0x4;
	[sflag:s20] =	ssyncset.done @!p1 $0x0  }
0x60: {  	s21 =	sand.u32 $0x3FFFFFF0, s21;
	[sflag:s20] =	ssyncadd.s32 @!p1 $0xFFFFD000  }
0x61: {  	v3 =	vld [tilespmem:s21+$0x0];
	_ =	sdelay $0x4  }
0x62: {  	v63 =	vshrl.u32 v3, $0x3  }
0x63: {  	v4 =	vmul.u32 $0x30, v63  }
0x64: {  	v3 =	vand.u32 $0x7, v3  }
0x65: {  	v3 =	vor.u32 v3, v4  }
0x66: {  	v4 =	vperm.xlane v3, v0;
	_ =	sdelay $0x1  }
0x67: {  	v4 =	vadd.s32 v1, v4;
	_ =	sdelay $0x3  }
0x68: {  	v3 =	vperm.xlane v3, v2  }
0x69: {  	[tilespmem:s2], [sflag:$0x4] =	stream.indirect_vreg.gather [hbm4b:s1+s4], $0x80, v4, vm0, $0xb8;
	[tilespmem:$0xC080] =	vst v63  }
0x6a: {  	v3 =	vadd.s32 v1, v3  }
0x6b: {  	[tilespmem:s16], [sflag:$0x4] =	stream.indirect_vreg.gather [hbm4b:s7+s4], $0x80, v4, vm0, $0xb8;
	[tilespmem:$0xC080] =	vst v63  }
0x6c: {  	_ = 	snop  }
0x6d: {  	[tilespmem:s17], [sflag:$0x4] =	stream.indirect_vreg.gather [hbm4b:s8+s4], $0x80, v4, vm0, $0xb8;
	[tilespmem:$0xC080] =	vst v63  }
0x6e: {  	_ = 	snop  }
0x6f: {  	[tilespmem:s26], [sflag:$0x4] =	stream.indirect_vreg.gather [hbm4b:s1+s4], $0x80, v3, vm0, $0xb8;
	[tilespmem:$0xC080] =	vst v63  }
0x70: {  	_ = 	snop  }
0x71: {  	[tilespmem:s28], [sflag:$0x4] =	stream.indirect_vreg.gather [hbm4b:s7+s4], $0x80, v3, vm0, $0xb8;
	[tilespmem:$0xC080] =	vst v63  }
0x72: {  	s21 =	smul.u32 $0x60000, s22  }
0x73: {  	[tilespmem:s29], [sflag:$0x4] =	stream.indirect_vreg.gather [hbm4b:s8+s4], $0x80, v3, vm0, $0xb8;
	[tilespmem:$0xC080] =	vst v63  }
0x74: {  	s20 =	sadd.s32 s5, s21;
	_ =	swait.ge [sflag:s6], $0x3000  }
0x75: {  	s20 =	sshrl.u32 s20, $0x3;
	[sflag:s6] =	ssyncset.done $0x0  }
0x76: {  	s20 =	sadd.s32 s3, s20;
	[sflag:s6] =	ssyncadd.s32 $0xFFFFD000  }
0x77: {  	[hbm4b:s20+s4] =	stream.linear.scatter [tilespmem:s25], [sflag:$0x7], $0x3000, $0x38;
	[tilespmem:$0xC080] =	vst v63  }
0x78: {  	_ =	swait.ge [sflag:s10], $0x3000  }
0x79: {  	[sflag:s10] =	ssyncset.done $0x0  }
0x7a: {  	[sflag:s10] =	ssyncadd.s32 $0xFFFFD000  }
0x7b: {  	v3 =	vld @p1 [tilespmem:$0x40];
	_ =	sdelay $0x4  }
0x7c: {  	v4 =	vshrl.u32 @p1 v3, $0x3  }
0x7d: {  	v4 =	vmul.u32 @p1 $0x30, v4  }
0x7e: {  	v5 =	vlaneseq.u32 @p1;
	v3 =	vand.u32 @p1 $0x7, v3  }
0x7f: {  	v6 =	vshrl.u32 @p1 v5, $0x3;
	v3 =	vor.u32 @p1 v3, v4;
	v4 =	vand.u32 @p1 $0x7, v5  }
0x80: {  	v6 =	vmul.u32 @p1 $0x8, v6;
	v4 =	vperm.xlane @p1 v3, v4;
	_ =	sdelay $0x1  }
0x81: {  	v4 =	vadd.s32 @p1 v6, v4;
	_ =	sdelay $0x2  }
0x82: {  	v5 =	vor.u32 @p1 $0x8, v5  }
0x83: {  	vm1 =	vmmov @p1 $0xffff;
	s21 =	simm.s32 @p1 $0x80;
	s20 =	simm.s32 @p1 $0x0;
	v3 =	vperm.xlane @p1 v3, v5  }
0x84: {  	[tilespmem:s21], [sflag:$0x1] =	stream.indirect_vreg.gather @p1 [hbm4b:s1+s20], $0x80, v4, vm1, $0xb8;
	[tilespmem:$0xC080] =	vst v63  }
0x85: {  	v3 =	vadd.s32 @p1 v6, v3;
	s21 =	simm.s32 @p1 $0x880  }
0x86: {  	[tilespmem:s21], [sflag:$0x1] =	stream.indirect_vreg.gather @p1 [hbm4b:s7+s20], $0x80, v4, vm1, $0xb8;
	[tilespmem:$0xC080] =	vst v63  }
0x87: {  	s21 =	simm.s32 @p1 $0x1080  }
0x88: {  	[tilespmem:s21], [sflag:$0x1] =	stream.indirect_vreg.gather @p1 [hbm4b:s8+s20], $0x80, v4, vm1, $0xb8;
	[tilespmem:$0xC080] =	vst v63  }
0x89: {  	s21 =	simm.s32 @p1 $0x1880  }
0x8a: {  	[tilespmem:s21], [sflag:$0x1] =	stream.indirect_vreg.gather @p1 [hbm4b:s1+s20], $0x80, v3, vm1, $0xb8;
	[tilespmem:$0xC080] =	vst v63  }
0x8b: {  	s21 =	simm.s32 @p1 $0x2080  }
0x8c: {  	[tilespmem:s21], [sflag:$0x1] =	stream.indirect_vreg.gather @p1 [hbm4b:s7+s20], $0x80, v3, vm1, $0xb8;
	[tilespmem:$0xC080] =	vst v63  }
0x8d: {  	s19 =	smul.u32 $0x60000, s19;
	s21 =	simm.s32 @p1 $0x2880  }
0x8e: {  	[tilespmem:s21], [sflag:$0x1] =	stream.indirect_vreg.gather @p1 [hbm4b:s8+s20], $0x80, v3, vm1, $0xb8;
	[tilespmem:$0xC080] =	vst v63  }
0x8f: {  	s19 =	sadd.s32 s5, s19;
	_ =	swait.ge [sflag:s11], $0x3000  }
0x90: {  	p0 =	por p1, p1;
	s19 =	sshrl.u32 s19, $0x3;
	[sflag:s11] =	ssyncset.done $0x0  }
.Ltmp0:
0x91: {  	s19 =	sadd.s32 s3, s19;
	[sflag:s11] =	ssyncadd.s32 $0xFFFFD000;
	(pc) =	sbr.rel @p0 .LBB2_2-.Ltmp0, $4  }
0x92: {  	[hbm4b:s19+s4] =	stream.linear.scatter [tilespmem:s2], [sflag:$0x8], $0x3000, $0x38;
	[tilespmem:$0xC080] =	vst v63  }
0x93: {  	s23 =	simm.s32 $0x4080;
	s22 =	simm.s32 $0x80;
	_ =	swait.ge [sflag:s12], $0x3000  }
0x94: {  	s21 =	simm.s32 $0x3880;
	p1 =	por $0x0, $0x0;
	[sflag:s12] =	ssyncset.done $0x0  }
0x95: {  	s20 =	simm.s32 $0x50;
	s19 =	simm.s32 $0x1;
	[sflag:s12] =	ssyncadd.s32 $0xFFFFD000  }
0x96: {  	s13 =	simm.s32 $0x7  }
0x97: {  	_ =	swait.ge [sflag:s13], $0x3000  }
0x98: {  	[sflag:s13] =	ssyncset.done $0x0  }
0x99: {  	s20 =	simm.s32 $0x8;
	[sflag:s13] =	ssyncadd.s32 $0xFFFFD000  }
0x9a: {  	_ =	swait.ge [sflag:s20], $0x3000  }
0x9b: {  	s14 =	rddreg [dreg:$0x6]  }
0x9c: {  	s19 =	rddreg [dreg:$0x5];
	s14 =	sadd.s32 $0x1, s14  }
0x9d: {  	p0 =	sne.s32 s14, s19  }
.Ltmp1:
0x9e: {  	_ = 	snop;
	(pc) =	sbr.rel @p0 .LBB2_1-.Ltmp1, $3  }
0x9f: {  	_ =	sdelay $0x1  }
0xa0: {  	[sflag:s20] =	ssyncset.done $0x0  }
0xa1: {  	[sflag:s20] =	ssyncadd.s32 $0xFFFFD000  }
0xa2: {  	_ =	sfence.sel $0x180000  }
0xa3: {  	[bflag:$0x0] =	sbarrier.arrive $0xFFFF  }
0xa4: {  	_ =	strace $0x90000047  }
0xa5: {  	s0 =	stileid.u32;
	[bflag:$0x2] =	sbarrier.arrive $0xFFFF  }
0xa6: {  	p0 =	sne.s32 s0, $0x0;
	s0 =	rddreg [dreg:$0x3]  }
0xa7: {  	s0 =	sadd.s32 @!p0 $0x100000, s0  }
0xa8: {  	[sflag:s0] =	ssyncadd.tile.s32 @!p0 $0x1;
	_ =	shalt  }
.Lfunc_end2:
_tile_overlayer_lowered:
.L_overlay_start_2:
0xa9: {  	(tag) =	ssettag $0x2  }
0xaa: {  	s0 =	rddreg [dreg:$0x0];
	s2 =	stileid.u32  }
0xab: {  	s1 =	rddreg [dreg:$0x1];
	p0 =	sne.s32 s2, $0x0  }
0xac: {  	s3 =	rddreg [dreg:$0x2];
	[bflag:$0x3] =	sbarrier.arrive $0xFFFF;
	s2 =	simm.s32 @!p0 $0x1C09  }
0xad: {  	[timem:s3], [sflag:s2] =	dma.local @!p0 [hbm:s0], s1  }
0xae: {  	s0 =	simm.s32 @!p0 $0x9  }
0xaf: {  	_ =	swait.ge @!p0 [sflag:s0], s1  }
0xb0: {  	s1 =	ssub.s32 @!p0 $0x0, s1;
	[sflag:s0] =	ssyncset.done @!p0 $0x0  }
0xb1: {  	[sflag:s0] =	ssyncadd.s32 @!p0 s1  }
0xb2: {  	[bflag:$0x3] =	sbarrier.arrive $0xFFFF  }
0xb3: {  	_ =	shalt  }

// kernel: _run.9.cloned.1.call-start
scs
__scs_entry_jumppad:
0x0: {  	(pc) =	sbr.rel $0x88, $3  }
0x1: {  	(tag) =	ssettag $0x0;
	lr =	simm.s32 $0x1  }
0x2: {  	[smem:$0x3F9B] =	sst lr;
	_ =	strace $0xD0000000  }
0x3: {  	_ = 	snop  }
0x4: {  	_ = 	snop  }
0x5: {  	_ = 	snop  }
0x6: {  	_ = 	snop  }
0x7: {  	_ = 	snop  }
__scs_overlays_trampoline_lowered:
0x8: {  	[smem:$0x3FAA] =	sst s0  }
0x9: {  	[smem:$0x3FAB] =	sst s1  }
0xa: {  	[smem:$0x3FAC] =	sst s2  }
0xb: {  	[smem:$0x3FAD] =	sst s3  }
0xc: {  	[smem:$0x3FAE] =	sst s4  }
0xd: {  	[smem:$0x3FAF] =	sst s5  }
0xe: {  	[smem:$0x3FB0] =	sst s6  }
0xf: {  	[smem:$0x3FB1] =	sst s7  }
0x10: {  	[smem:$0x3FB2] =	sst s8  }
0x11: {  	[smem:$0x3FB3] =	sst s9;
	s0 =	simm.s32 @!p0 $0x0  }
0x12: {  	s1 =	sld [smem:$0x3F99];
	s0 =	simm.s32 @p0 $0x1  }
0x13: {  	[smem:$0x3FB4] =	sst s0;
	s0 =	simm.s32 @!p1 $0x0  }
0x14: {  	s2 =	sld [smem:$0x3F98];
	s0 =	simm.s32 @p1 $0x1  }
0x15: {  	[smem:$0x3FB5] =	sst s0;
	s0 =	simm.s32 @!p2 $0x0  }
0x16: {  	s3 =	sld [smem:$0x3FDB];
	s0 =	simm.s32 @p2 $0x1  }
0x17: {  	s4 =	simm.s32 $0x1BF5;
	[smem:$0x3FB7] =	sst s0  }
0x18: {  	s0 =	sld [smem:$0x3F9A];
	_ =	swait.ge [sflag:s4], $0x0  }
0x19: {  	s7 =	sld [smem:$0x3F9B]  }
0x1a: {  	s8 =	sadd.s32 $0xFFFFE003, lr  }
0x1b: {  	s9 =	sadd.s32 $0xFFFFFEF7, lr;
	s5 =	simm.s32 $0xFFFFFFFF;
	p2 =	slt.u32 s8, $0xFFFFF086  }
0x1c: {  	p1 =	slt.u32 s9, $0xF7A;
	s5 =	simm.s32 @!p2 $0x0  }
0x1d: {  	s5 =	simm.s32 @p1 $0x1;
	p0 =	seq.s32 s7, s2  }
0x1e: {  	s7 =	smul.u32 @!p0 $0xF7A, s2;
	p2 =	seq.s32 @!p0 s5, $0x0  }
0x1f: {  	s9 =	smul.u32 $0xF7A, s1;
	s8 =	simm.s32 @!p0 $0x1BF5;
	p2 =	por !p2, p0  }
0x20: {  	[sflag:s8] =	ssyncset.s32 @!p0 $0xFFFFF086;
	s6 =	sadd.s32 @!p0 s3, s7;
	s7 =	simm.s32 @!p0 $0x108  }
0x21: {  	s3 =	sadd.s32 s3, s9;
	s6 =	sadd.s32 @!p0 $0x88, s6;
	s7 =	simm.s32 @p2 $0x1082  }
0x22: {  	[simem:s7], [sflag:s8] =	dma.local @!p0 [hbm:s6], $0xF7A  }
0x23: {  	s9 =	sor.u32 $0xD0000000, s2;
	s6 =	simm.s32 $0x108;
	_ =	swait.ge @!p0 [sflag:s8], $0x0  }
0x24: {  	s3 =	sadd.s32 $0x88, s3;
	s6 =	simm.s32 @!p1 $0x1082;
	[sflag:s4] =	ssyncset.s32 $0xFFFFF086  }
0x25: {  	[simem:s6], [sflag:s4] =	dma.local [hbm:s3], $0xF7A  }
0x26: {  	[smem:$0x3F9B] =	sst s1;
	(tag) =	ssettag s2;
	_ =	strace s9  }
0x27: {  	s1 =	sld [smem:$0x3FAB]  }
0x28: {  	s2 =	sld [smem:$0x3FAC]  }
0x29: {  	s4 =	sld [smem:$0x3FAE]  }
0x2a: {  	p0 =	seq.s32 s5, $0x0;
	s5 =	sld [smem:$0x3FAF]  }
0x2b: {  	s6 =	sld [smem:$0x3FB0]  }
0x2c: {  	s7 =	sld [smem:$0x3FB1]  }
0x2d: {  	s3 =	simm.s32 $0x108;
	s8 =	sld [smem:$0x3FB2]  }
0x2e: {  	s3 =	simm.s32 @!p0 $0x1082;
	s9 =	sld [smem:$0x3FB3]  }
0x2f: {  	lr =	sadd.s32 s0, s3;
	s0 =	sld [smem:$0x3FAA]  }
0x30: {  	s3 =	sld [smem:$0x3FAD]  }
0x31: {  	[smem:$0x3FB6] =	sst s10  }
0x32: {  	s10 =	sld [smem:$0x3FB4];
	_ =	sdelay $0x3  }
0x33: {  	p0 =	seq.s32 s10, $0x1;
	s10 =	sld [smem:$0x3FB6];
	_ =	sdelay $0x3  }
0x34: {  	[smem:$0x3FB6] =	sst s10  }
0x35: {  	s10 =	sld [smem:$0x3FB5];
	_ =	sdelay $0x3  }
0x36: {  	p1 =	seq.s32 s10, $0x1;
	s10 =	sld [smem:$0x3FB6];
	_ =	sdelay $0x3  }
0x37: {  	[smem:$0x3FB6] =	sst s10  }
0x38: {  	s10 =	sld [smem:$0x3FB7]  }
0x39: {  	_ = 	snop;
	(pc) =	sbr.ind lr, $3  }
0x3a: {  	_ = 	snop  }
0x3b: {  	_ = 	snop  }
0x3c: {  	p2 =	seq.s32 s10, $0x1;
	s10 =	sld [smem:$0x3FB6]  }
0x3d: {  	_ =	shalt  }
0x3e: {  	_ =	shalt  }
0x3f: {  	_ =	shalt  }
0x40: {  	_ =	shalt  }
0x41: {  	_ =	shalt  }
0x42: {  	_ =	shalt  }
0x43: {  	_ =	shalt  }
0x44: {  	_ =	shalt  }
0x45: {  	_ =	shalt  }
0x46: {  	_ =	shalt  }
0x47: {  	_ =	shalt  }
0x48: {  	_ =	shalt  }
0x49: {  	_ =	shalt  }
0x4a: {  	_ =	shalt  }
0x4b: {  	_ =	shalt  }
0x4c: {  	_ =	shalt  }
0x4d: {  	_ =	shalt  }
0x4e: {  	_ =	shalt  }
0x4f: {  	_ =	shalt  }
0x50: {  	_ =	shalt  }
0x51: {  	_ =	shalt  }
0x52: {  	_ =	shalt  }
0x53: {  	_ =	shalt  }
0x54: {  	_ =	shalt  }
0x55: {  	_ =	shalt  }
0x56: {  	_ =	shalt  }
0x57: {  	_ =	shalt  }
0x58: {  	_ =	shalt  }
0x59: {  	_ =	shalt  }
0x5a: {  	_ =	shalt  }
0x5b: {  	_ =	shalt  }
0x5c: {  	_ =	shalt  }
0x5d: {  	_ =	shalt  }
0x5e: {  	_ =	shalt  }
0x5f: {  	_ =	shalt  }
0x60: {  	_ =	shalt  }
0x61: {  	_ =	shalt  }
0x62: {  	_ =	shalt  }
0x63: {  	_ =	shalt  }
0x64: {  	_ =	shalt  }
0x65: {  	_ =	shalt  }
0x66: {  	_ =	shalt  }
0x67: {  	_ =	shalt  }
0x68: {  	_ =	shalt  }
0x69: {  	_ =	shalt  }
0x6a: {  	_ =	shalt  }
0x6b: {  	_ =	shalt  }
0x6c: {  	_ =	shalt  }
0x6d: {  	_ =	shalt  }
0x6e: {  	_ =	shalt  }
0x6f: {  	_ =	shalt  }
0x70: {  	_ =	shalt  }
0x71: {  	_ =	shalt  }
0x72: {  	_ =	shalt  }
0x73: {  	_ =	shalt  }
0x74: {  	_ =	shalt  }
0x75: {  	_ =	shalt  }
0x76: {  	_ =	shalt  }
0x77: {  	_ =	shalt  }
0x78: {  	_ =	shalt  }
0x79: {  	_ =	shalt  }
0x7a: {  	_ =	shalt  }
0x7b: {  	_ =	shalt  }
0x7c: {  	_ =	shalt  }
0x7d: {  	_ =	shalt  }
0x7e: {  	_ =	shalt  }
0x7f: {  	_ =	shalt  }
0x80: {  	_ =	shalt  }
0x81: {  	_ =	shalt  }
0x82: {  	_ =	shalt  }
0x83: {  	_ =	shalt  }
0x84: {  	_ =	shalt  }
0x85: {  	_ =	shalt  }
0x86: {  	_ =	shalt  }
0x87: {  	_ =	shalt  }
.Lfunc_end0:
.L_simem_size_0:
called_computation.1_lowered:
.L_overlay_start_0:
0x88: {  	s2 =	sld [smem:$0x3FD9]  }
0x89: {  	s3 =	sld [smem:$0x3FFE];
	_ =	sdelay $0x1  }
0x8a: {  	s1 =	srdreg.scid  }
0x8b: {  	s0 =	sand.u32 $0x1, s1  }
0x8c: {  	s17 =	sshll.u32 s0, $0xA;
	s2 =	sadd.s32 s3, s2  }
0x8d: {  	s2 =	sadd.s32 s2, s17  }
0x8e: {  	[smem:$0x3FC2] =	sst s2  }
0x8f: {  	_ = 	snop  }
0x90: {  	s18 =	sld [smem:$0x3FC9]  }
0x91: {  	s4 =	sld [smem:$0x3FC4];
	(tm) =	ssettm $0x1  }
0x92: {  	s19 =	sld [smem:$0x3FFB];
	_ =	sdelay $0x3  }
0x93: {  	_ =	strace s19  }
0x94: {  	s2 =	sld [smem:$0x3FFC];
	_ =	sdelay $0x3  }
0x95: {  	_ =	strace s2  }
0x96: {  	s2 =	sld [smem:$0x3FFD];
	_ =	sdelay $0x3  }
0x97: {  	_ =	strace s2  }
0x98: {  	_ =	strace $0x8FFFFFFF  }
0x99: {  	s20 =	sld [smem:$0x3FDB];
	_ =	sdelay $0x1  }
0x9a: {  	s5 =	simm.s32 $_scs_section_size  }
0x9b: {  	s6 =	simm.s32 $_size__tile_overlayer_lowered;
	s7 =	simm.s32 $_tile_overlayer_lowered  }
0x9c: {  	s8 =	simm.s32 $0x1BFF;
	s21 =	sshll.u32 s7, $0x1;
	s5 =	sadd.s32 s5, s20  }
0x9d: {  	s22 =	simm.s32 $0x0;
	s6 =	sshll.u32 s6, $0x1;
	s7 =	sadd.s32 s21, s5  }
0x9e: {  	[timem:s22], [sflag:s8] =	dma.local [hbm:s7], s6  }
0x9f: {  	_ =	swait.ge [sflag:s8], s6  }
0xa0: {  	s6 =	ssub.s32 $0x0, s6;
	[sflag:s8] =	ssyncset.done $0x0  }
0xa1: {  	[sflag:s8] =	ssyncadd.s32 s6;
	_ =	sdelay $0x1  }
0xa2: {  	s23 =	simm.s32 $0x1B8B  }
0xa3: {  	_ =	swait.ge [sflag:s23], $0x1  }
0xa4: {  	[sflag:s23] =	ssyncset.done $0x0  }
0xa5: {  	[sflag:s23] =	ssyncadd.s32 $0xFFFFFFFF  }
0xa6: {  	s6 =	sld [smem:$0x0]  }
0xa7: {  	s7 =	sand.u32 $0xFFFFFFFE, s1  }
0xa8: {  	p0 =	sne.s32 s1, s7  }
0xa9: {  	s7 =	sshll.u32 @p0 s7, $0xE  }
0xaa: {  	s7 =	sadd.s32 @p0 $0x11B8D, s7;
	s8 =	sshll.u32 @p0 s6, $0x11  }
0xab: {  	s7 =	sor.u32 @p0 s8, s7  }
0xac: {  	[sflag:s7] =	ssyncadd.remote.s32 @p0 $0x1;
	_ =	sdelay $0x1  }
0xad: {  	s7 =	simm.s32 @p0 $0x1B8D  }
0xae: {  	_ =	swait.eq @p0 [sflag:s7], $0x1  }
0xaf: {  	[sflag:s7] =	ssyncadd.s32 @p0 $0xFFFFFFFF  }
0xb0: {  	s8 =	sshll.u32 @!p0 s1, $0xE  }
0xb1: {  	s8 =	sor.u32 @!p0 $0x4000, s8;
	s7 =	simm.s32 @!p0 $0x1B8D  }
0xb2: {  	s6 =	sshll.u32 @!p0 s6, $0x11;
	s8 =	sadd.s32 @!p0 $0x11B8D, s8;
	_ =	swait.eq @!p0 [sflag:s7], $0x1  }
0xb3: {  	s6 =	sor.u32 @!p0 s6, s8;
	[sflag:s7] =	ssyncadd.s32 @!p0 $0xFFFFFFFF  }
0xb4: {  	s25 =	simm.s32 $0x1B8E;
	s24 =	sld [smem:$0x3FFE];
	[sflag:s6] =	ssyncadd.remote.s32 @!p0 $0x1  }
0xb5: {  	s26 =	simm.s32 $execute0_lowered;
	[smem:$0x3FD2] =	sst s25  }
0xb6: {  	s7 =	sshll.u32 s26, $0x1;
	_ =	strace $0x80000049;
	[dreg:$0x1] =	wrdreg $0xFFFFFFFF  }
0xb7: {  	s28 =	simm.s32 $_size_execute0_lowered;
	s5 =	sadd.s32 s5, s7;
	[dreg:$0x0] =	wrdreg $0x0  }
0xb8: {  	s7 =	sshll.u32 s28, $0x1;
	[dreg:$0x2] =	wrdreg s5  }
0xb9: {  	[dreg:$0x3] =	wrdreg s7  }
0xba: {  	[dreg:$0x4] =	wrdreg $0xC0  }
0xbb: {  	_ =	task [dreg:s22], $0x5FFFF  }
0xbc: {  	[dreg:$0x1] =	wrdreg $0xFFFFFFFF  }
0xbd: {  	[dreg:$0x0] =	wrdreg $0x60  }
0xbe: {  	[dreg:$0x2] =	wrdreg s4  }
0xbf: {  	[dreg:$0x3] =	wrdreg s18  }
0xc0: {  	[dreg:$0x4] =	wrdreg s24  }
0xc1: {  	[dreg:$0x5] =	wrdreg $0xA  }
0xc2: {  	_ =	task.clear_ibuf [dreg:s22], $0x6FFFF;
	_ =	strace $0x90000049  }
0xc3: {  	s29 =	simm.s32 $0xA;
	_ =	strace $0x8000004B  }
0xc4: {  	_ =	swait.ge [sflag:s29], $0x1  }
0xc5: {  	[sflag:s29] =	ssyncadd.s32 $0xFFFFFFFF  }
0xc6: {  	_ =	strace $0x9000004B  }
0xc7: {  	_ =	sfence  }
0xc8: {  	s30 =	sld [smem:$0x0];
	_ =	sdelay $0x2  }
0xc9: {  	s31 =	sshll.u32 s1, $0xD;
	s1 =	sshrl.u32 s1, $0x2  }
0xca: {  	s4 =	sand.u32 $0x4000, s31;
	s1 =	sadd.s32 s1, s30  }
0xcb: {  	s0 =	sor.u32 s4, s0;
	s1 =	sshll.u32 s1, $0x11  }
0xcc: {  	s0 =	sor.u32 s1, s0  }
0xcd: {  	s0 =	sadd.s32 $0x8F2B, s0  }
0xce: {  	[sflag:s0] =	ssyncadd.remote.s32 $0x1  }
0xcf: {  	_ =	sfence.sel $0xFFFF  }
0xd0: {  	[dreg:$0x0] =	wrdreg $0xFFFFFFFF;
	(pc) =	sbr.abs _section_cstart, $3  }
0xd1: {  	[dreg:$0x1] =	wrdreg $0xFFFFFFFF  }
0xd2: {  	_ =	task.clear_ibuf [dreg:s22], $0x2FFFF;
	_ =	strace $0x9FFFFFFF  }
0xd3: {  	(tm) =	ssettm $0x7FFFFFFF  }
tec
execute0_lowered:
.L_overlay_start_1:
0x0: {  	(tag) =	ssettag $0x1  }
0x1: {  	s0 =	rddreg [dreg:$0x0]  }
0x2: {  	s1 =	rddreg [dreg:$0x1]  }
0x3: {  	s2 =	rddreg [dreg:$0x2];
	s3 =	simm.s32 $0x0;
	s4 =	srdreg.scid  }
0x4: {  	s8 =	stileid.u32;
	s28 =	simm.s32 $0x1;
	s29 =	simm.s32 $0x6380  }
0x5: {  	s30 =	simm.s32 $0x6B80;
	s31 =	simm.s32 $0x7380;
	s12 =	simm.s32 $0x8B80  }
0x6: {  	s13 =	simm.s32 $0x2;
	s16 =	simm.s32 $0x9380;
	s17 =	simm.s32 $0x9B80  }
0x7: {  	s18 =	simm.s32 $0xA380;
	s19 =	simm.s32 $0xAB80;
	s20 =	simm.s32 $0xB380  }
0x8: {  	s14 =	simm.s32 $0x5;
	s15 =	simm.s32 $0x4;
	[smem:$0x7FF] =	sst s3  }
0x9: {  	s4 =	sand.u32 $0x1, s4;
	s5 =	sshrl.u32 s8, $0x2;
	s21 =	smul.u32 $0x6000, s8  }
0xa: {  	s6 =	sshll.u32 s8, $0x8;
	s2 =	sadd.s32 $0x1000, s2;
	s5 =	smul.u32 $0x1C00, s5  }
0xb: {  	s7 =	sshll.u32 s4, $0x7;
	s22 =	ssub.s32 $0x2, s4;
	s4 =	smul.u32 $0x3000, s4  }
0xc: {  	_ =	strace $0x8000004A;
	s6 =	sor.u32 s7, s6;
	s9 =	sshrl.u32 s22, $0x1  }
0xd: {  	s6 =	sand.u32 $0x380, s6;
	s8 =	ssub.s32 s22, s9;
	s4 =	sadd.s32 s4, s21  }
0xe: {  	s21 =	simm.s32 $0x3380;
	s22 =	simm.s32 $0x6;
	s5 =	sor.u32 s5, s6  }
0xf: {  	s23 =	sadd.s32 $0x60000, s4;
	s6 =	sadd.s32 $0x200, s1;
	s24 =	smax.u32 s8, $0x1  }
0x10: {  	s25 =	sadd.s32 $0x120000, s4;
	s26 =	sadd.s32 $0xC0000, s4;
	s4 =	sshrl.u32 s4, $0x3  }
0x11: {  	s5 =	sshrl.u32 s5, $0x3;
	[dreg:$0x5] =	wrdreg s24;
	s7 =	sshrl.u32 s26, $0x3  }
.Ltmp0:
0x12: {  	s9 =	sadd.s32 s4, s2;
	s4 =	simm.s32 $0xBB80;
	(pc) =	sbr.rel .LBB2_1-.Ltmp0, $4  }
0x13: {  	s0 =	sadd.s32 s0, s5;
	s5 =	sadd.s32 $0x100, s1;
	s11 =	sadd.s32 s7, s2  }
0x14: {  	v2 =	vlaneseq.u32;
	s7 =	simm.s32 $0x3;
	[dreg:$0x4] =	wrdreg s0;
	s0 =	sshrl.u32 s23, $0x3  }
0x15: {  	vm0 =	vmmov $0xffff;
	v1 =	vshrl.u32 v2, $0x3;
	s8 =	sadd.s32 s0, s2;
	s0 =	sshrl.u32 s25, $0x3;
	s25 =	simm.s32 $0x0  }
0x16: {  	v0 =	vand.u32 $0x7, v2;
	v2 =	vor.u32 $0x8, v2;
	v1 =	vmul.u32 $0x8, v1;
	s10 =	sadd.s32 s0, s2;
	s0 =	simm.s32 $0x7B80;
	s2 =	simm.s32 $0x8380  }
.LBB2_4:
0x17: {  	s23 =	simm.s32 $0x7  }
0x18: {  	_ =	swait.ge [sflag:s23], $0x3000  }
0x19: {  	[sflag:s23] =	ssyncset.done $0x0  }
0x1a: {  	s24 =	simm.s32 $0x8;
	[sflag:s23] =	ssyncadd.s32 $0xFFFFD000  }
0x1b: {  	_ =	swait.ge [sflag:s24], $0x3000  }
0x1c: {  	s25 =	rddreg [dreg:$0x6]  }
0x1d: {  	s26 =	rddreg [dreg:$0x5];
	s25 =	sadd.s32 $0x1, s25  }
0x1e: {  	p0 =	sne.s32 s25, s26  }
.Ltmp1:
0x1f: {  	_ = 	snop;
	(pc) =	sbr.rel @!p0 .LBB2_5-.Ltmp1, $3  }
0x20: {  	_ =	sdelay $0x1  }
0x21: {  	[sflag:s24] =	ssyncset.done $0x0  }
0x22: {  	[sflag:s24] =	ssyncadd.s32 $0xFFFFD000  }
.LBB2_1:
0x23: {  	s23 =	rddreg [dreg:$0x4];
	s24 =	simm.s32 $0x80;
	s26 =	simm.s32 $0x400  }
0x24: {  	[tilespmem:s3], [sflag:$0x9] =	stream.strided.gather [hbm4b:s23+s24], $0x380, s26, s24, $0x38;
	[tilespmem:$0xC380] =	vst v63  }
0x25: {  	[dreg:$0x6] =	wrdreg s25;
	s24 =	simm.s32 $0x9  }
0x26: {  	_ =	swait.ge [sflag:s24], $0x380  }
0x27: {  	[sflag:s24] =	ssyncset.done $0x0  }
0x28: {  	[sflag:s24] =	ssyncadd.s32 $0xFFFFFC80  }
0x29: {  	v3 =	vld [tilespmem:$0x0];
	_ =	sdelay $0x4  }
0x2a: {  	v4 =	vshrl.u32 v3, $0x3  }
0x2b: {  	v4 =	vmul.u32 $0x30, v4  }
0x2c: {  	v3 =	vand.u32 $0x7, v3  }
0x2d: {  	v3 =	vor.u32 v3, v4  }
0x2e: {  	v4 =	vperm.xlane v3, v0;
	_ =	sdelay $0x1  }
0x2f: {  	v4 =	vadd.s32 v1, v4;
	_ =	sdelay $0x3  }
0x30: {  	s25 =	simm.s32 $0x380;
	v3 =	vperm.xlane v3, v2  }
0x31: {  	[tilespmem:s25], [sflag:$0x1] =	stream.indirect_vreg.gather [hbm4b:s1+s3], $0x80, v4, vm0, $0xb8;
	[tilespmem:$0xC380] =	vst v63  }
0x32: {  	s26 =	simm.s32 $0xB80;
	v3 =	vadd.s32 v1, v3  }
0x33: {  	[tilespmem:s26], [sflag:$0x1] =	stream.indirect_vreg.gather [hbm4b:s5+s3], $0x80, v4, vm0, $0xb8;
	[tilespmem:$0xC380] =	vst v63  }
0x34: {  	s24 =	simm.s32 $0x1380  }
0x35: {  	[tilespmem:s24], [sflag:$0x1] =	stream.indirect_vreg.gather [hbm4b:s6+s3], $0x80, v4, vm0, $0xb8;
	[tilespmem:$0xC380] =	vst v63  }
0x36: {  	s25 =	simm.s32 $0x1B80  }
0x37: {  	[tilespmem:s25], [sflag:$0x1] =	stream.indirect_vreg.gather [hbm4b:s1+s3], $0x80, v3, vm0, $0xb8;
	[tilespmem:$0xC380] =	vst v63  }
0x38: {  	s26 =	simm.s32 $0x2380  }
0x39: {  	[tilespmem:s26], [sflag:$0x1] =	stream.indirect_vreg.gather [hbm4b:s5+s3], $0x80, v3, vm0, $0xb8;
	[tilespmem:$0xC380] =	vst v63  }
0x3a: {  	s24 =	simm.s32 $0x2B80  }
0x3b: {  	[tilespmem:s24], [sflag:$0x1] =	stream.indirect_vreg.gather [hbm4b:s6+s3], $0x80, v3, vm0, $0xb8;
	[tilespmem:$0xC380] =	vst v63  }
0x3c: {  	v3 =	vld [tilespmem:$0x10];
	_ =	sdelay $0x4  }
0x3d: {  	v63 =	vshrl.u32 v3, $0x3  }
0x3e: {  	v4 =	vmul.u32 $0x30, v63  }
0x3f: {  	v3 =	vand.u32 $0x7, v3  }
0x40: {  	v3 =	vor.u32 v3, v4  }
0x41: {  	v4 =	vperm.xlane v3, v0;
	_ =	sdelay $0x1  }
0x42: {  	v4 =	vadd.s32 v1, v4;
	_ =	sdelay $0x3  }
0x43: {  	v3 =	vperm.xlane v3, v2  }
0x44: {  	[tilespmem:s21], [sflag:$0x2] =	stream.indirect_vreg.gather [hbm4b:s1+s3], $0x80, v4, vm0, $0xb8;
	[tilespmem:$0xC380] =	vst v63  }
0x45: {  	s25 =	simm.s32 $0x3B80;
	v3 =	vadd.s32 v1, v3  }
0x46: {  	[tilespmem:s25], [sflag:$0x2] =	stream.indirect_vreg.gather [hbm4b:s5+s3], $0x80, v4, vm0, $0xb8;
	[tilespmem:$0xC380] =	vst v63  }
0x47: {  	s26 =	simm.s32 $0x4380  }
0x48: {  	[tilespmem:s26], [sflag:$0x2] =	stream.indirect_vreg.gather [hbm4b:s6+s3], $0x80, v4, vm0, $0xb8;
	[tilespmem:$0xC380] =	vst v63  }
0x49: {  	s24 =	simm.s32 $0x4B80  }
0x4a: {  	[tilespmem:s24], [sflag:$0x2] =	stream.indirect_vreg.gather [hbm4b:s1+s3], $0x80, v3, vm0, $0xb8;
	[tilespmem:$0xC380] =	vst v63  }
0x4b: {  	s25 =	simm.s32 $0x5380  }
0x4c: {  	[tilespmem:s25], [sflag:$0x2] =	stream.indirect_vreg.gather [hbm4b:s5+s3], $0x80, v3, vm0, $0xb8;
	[tilespmem:$0xC380] =	vst v63  }
0x4d: {  	s23 =	simm.s32 $0x30;
	s26 =	simm.s32 $0x5B80;
	s24 =	simm.s32 $0x0  }
0x4e: {  	[tilespmem:s26], [sflag:$0x2] =	stream.indirect_vreg.gather [hbm4b:s6+s3], $0x80, v3, vm0, $0xb8;
	[tilespmem:$0xC380] =	vst v63  }
.LBB2_2:
0x4f: {  	_ =	swait.ge [sflag:s28], $0x3000  }
0x50: {  	s25 =	sadd.s32 s24, s9;
	[sflag:s28] =	ssyncset.done $0x0  }
0x51: {  	s26 =	simm.s32 $0x380;
	p0 =	seq.s32 s24, $0x0;
	[sflag:s28] =	ssyncadd.s32 $0xFFFFD000  }
0x52: {  	[hbm4b:s25+s3] =	stream.linear.scatter [tilespmem:s26], [sflag:$0x5], $0x3000, $0x38;
	[tilespmem:$0xC380] =	vst v63  }
0x53: {  	s25 =	simm.s32 @!p0 $0x7  }
0x54: {  	_ =	swait.ge @!p0 [sflag:s25], $0x3000  }
0x55: {  	[sflag:s25] =	ssyncset.done @!p0 $0x0  }
0x56: {  	[sflag:s25] =	ssyncadd.s32 @!p0 $0xFFFFD000  }
0x57: {  	v3 =	vld [tilespmem:s23+$0xFFFFFFF0];
	_ =	sdelay $0x4  }
0x58: {  	v4 =	vshrl.u32 v3, $0x3  }
0x59: {  	v4 =	vmul.u32 $0x30, v4  }
0x5a: {  	v3 =	vand.u32 $0x7, v3  }
0x5b: {  	v3 =	vor.u32 v3, v4  }
0x5c: {  	v4 =	vperm.xlane v3, v0;
	_ =	sdelay $0x1  }
0x5d: {  	v4 =	vadd.s32 v1, v4;
	_ =	sdelay $0x3  }
0x5e: {  	v3 =	vperm.xlane v3, v2  }
0x5f: {  	[tilespmem:s29], [sflag:$0x3] =	stream.indirect_vreg.gather [hbm4b:s1+s3], $0x80, v4, vm0, $0xb8;
	[tilespmem:$0xC380] =	vst v63  }
0x60: {  	v3 =	vadd.s32 v1, v3  }
0x61: {  	[tilespmem:s30], [sflag:$0x3] =	stream.indirect_vreg.gather [hbm4b:s5+s3], $0x80, v4, vm0, $0xb8;
	[tilespmem:$0xC380] =	vst v63  }
0x62: {  	_ = 	snop  }
0x63: {  	[tilespmem:s31], [sflag:$0x3] =	stream.indirect_vreg.gather [hbm4b:s6+s3], $0x80, v4, vm0, $0xb8;
	[tilespmem:$0xC380] =	vst v63  }
0x64: {  	_ = 	snop  }
0x65: {  	[tilespmem:s0], [sflag:$0x3] =	stream.indirect_vreg.gather [hbm4b:s1+s3], $0x80, v3, vm0, $0xb8;
	[tilespmem:$0xC380] =	vst v63  }
0x66: {  	_ = 	snop  }
0x67: {  	[tilespmem:s2], [sflag:$0x3] =	stream.indirect_vreg.gather [hbm4b:s5+s3], $0x80, v3, vm0, $0xb8;
	[tilespmem:$0xC380] =	vst v63  }
0x68: {  	_ = 	snop  }
0x69: {  	[tilespmem:s12], [sflag:$0x3] =	stream.indirect_vreg.gather [hbm4b:s6+s3], $0x80, v3, vm0, $0xb8;
	[tilespmem:$0xC380] =	vst v63  }
0x6a: {  	_ =	swait.ge [sflag:s13], $0x3000  }
0x6b: {  	[sflag:s13] =	ssyncset.done $0x0  }
0x6c: {  	s26 =	sadd.s32 s24, s8;
	s25 =	simm.s32 @!p0 $0x8;
	[sflag:s13] =	ssyncadd.s32 $0xFFFFD000  }
0x6d: {  	[hbm4b:s26+s3] =	stream.linear.scatter [tilespmem:s21], [sflag:$0x6], $0x3000, $0x38;
	[tilespmem:$0xC380] =	vst v63  }
0x6e: {  	_ =	swait.ge @!p0 [sflag:s25], $0x3000  }
0x6f: {  	[sflag:s25] =	ssyncset.done @!p0 $0x0  }
0x70: {  	[sflag:s25] =	ssyncadd.s32 @!p0 $0xFFFFD000  }
0x71: {  	v3 =	vld [tilespmem:s23+$0x0];
	_ =	sdelay $0x4  }
0x72: {  	v63 =	vshrl.u32 v3, $0x3  }
0x73: {  	v4 =	vmul.u32 $0x30, v63  }
0x74: {  	v3 =	vand.u32 $0x7, v3  }
0x75: {  	v3 =	vor.u32 v3, v4  }
0x76: {  	v4 =	vperm.xlane v3, v0;
	_ =	sdelay $0x1  }
0x77: {  	v4 =	vadd.s32 v1, v4;
	_ =	sdelay $0x3  }
0x78: {  	v3 =	vperm.xlane v3, v2  }
0x79: {  	[tilespmem:s16], [sflag:$0x4] =	stream.indirect_vreg.gather [hbm4b:s1+s3], $0x80, v4, vm0, $0xb8;
	[tilespmem:$0xC380] =	vst v63  }
0x7a: {  	v3 =	vadd.s32 v1, v3  }
0x7b: {  	[tilespmem:s17], [sflag:$0x4] =	stream.indirect_vreg.gather [hbm4b:s5+s3], $0x80, v4, vm0, $0xb8;
	[tilespmem:$0xC380] =	vst v63  }
0x7c: {  	_ = 	snop  }
0x7d: {  	[tilespmem:s18], [sflag:$0x4] =	stream.indirect_vreg.gather [hbm4b:s6+s3], $0x80, v4, vm0, $0xb8;
	[tilespmem:$0xC380] =	vst v63  }
0x7e: {  	_ = 	snop  }
0x7f: {  	[tilespmem:s19], [sflag:$0x4] =	stream.indirect_vreg.gather [hbm4b:s1+s3], $0x80, v3, vm0, $0xb8;
	[tilespmem:$0xC380] =	vst v63  }
0x80: {  	_ = 	snop  }
0x81: {  	[tilespmem:s20], [sflag:$0x4] =	stream.indirect_vreg.gather [hbm4b:s5+s3], $0x80, v3, vm0, $0xb8;
	[tilespmem:$0xC380] =	vst v63  }
0x82: {  	_ = 	snop  }
0x83: {  	[tilespmem:s4], [sflag:$0x4] =	stream.indirect_vreg.gather [hbm4b:s6+s3], $0x80, v3, vm0, $0xb8;
	[tilespmem:$0xC380] =	vst v63  }
0x84: {  	_ =	swait.ge [sflag:s7], $0x3000  }
0x85: {  	[sflag:s7] =	ssyncset.done $0x0  }
0x86: {  	s26 =	sadd.s32 s24, s11;
	[sflag:s7] =	ssyncadd.s32 $0xFFFFD000  }
0x87: {  	[hbm4b:s26+s3] =	stream.linear.scatter [tilespmem:s29], [sflag:$0x7], $0x3000, $0x38;
	[tilespmem:$0xC380] =	vst v63  }
0x88: {  	_ =	swait.ge [sflag:s14], $0x3000  }
0x89: {  	[sflag:s14] =	ssyncset.done $0x0  }
0x8a: {  	p0 =	seq.s32 s24, $0x270000;
	[sflag:s14] =	ssyncadd.s32 $0xFFFFD000  }
0x8b: {  	v3 =	vld @!p0 [tilespmem:s23+$0x10];
	_ =	sdelay $0x4  }
0x8c: {  	v4 =	vshrl.u32 @!p0 v3, $0x3  }
0x8d: {  	v4 =	vmul.u32 @!p0 $0x30, v4  }
0x8e: {  	v5 =	vlaneseq.u32 @!p0;
	v3 =	vand.u32 @!p0 $0x7, v3  }
0x8f: {  	v6 =	vshrl.u32 @!p0 v5, $0x3;
	v3 =	vor.u32 @!p0 v3, v4;
	v4 =	vand.u32 @!p0 $0x7, v5  }
0x90: {  	v6 =	vmul.u32 @!p0 $0x8, v6;
	v4 =	vperm.xlane @!p0 v3, v4;
	_ =	sdelay $0x1  }
0x91: {  	v4 =	vadd.s32 @!p0 v6, v4;
	_ =	sdelay $0x2  }
0x92: {  	v5 =	vor.u32 @!p0 $0x8, v5  }
0x93: {  	vm1 =	vmmov @!p0 $0xffff;
	s25 =	simm.s32 @!p0 $0x0;
	s26 =	simm.s32 @!p0 $0x380;
	v3 =	vperm.xlane @!p0 v3, v5  }
0x94: {  	[tilespmem:s26], [sflag:$0x1] =	stream.indirect_vreg.gather @!p0 [hbm4b:s1+s25], $0x80, v4, vm1, $0xb8;
	[tilespmem:$0xC380] =	vst v63  }
0x95: {  	v3 =	vadd.s32 @!p0 v6, v3;
	s26 =	simm.s32 @!p0 $0xB80  }
0x96: {  	[tilespmem:s26], [sflag:$0x1] =	stream.indirect_vreg.gather @!p0 [hbm4b:s5+s25], $0x80, v4, vm1, $0xb8;
	[tilespmem:$0xC380] =	vst v63  }
0x97: {  	s26 =	simm.s32 @!p0 $0x1380  }
0x98: {  	[tilespmem:s26], [sflag:$0x1] =	stream.indirect_vreg.gather @!p0 [hbm4b:s6+s25], $0x80, v4, vm1, $0xb8;
	[tilespmem:$0xC380] =	vst v63  }
0x99: {  	s26 =	simm.s32 @!p0 $0x1B80  }
0x9a: {  	[tilespmem:s26], [sflag:$0x1] =	stream.indirect_vreg.gather @!p0 [hbm4b:s1+s25], $0x80, v3, vm1, $0xb8;
	[tilespmem:$0xC380] =	vst v63  }
0x9b: {  	s26 =	simm.s32 @!p0 $0x2380  }
0x9c: {  	[tilespmem:s26], [sflag:$0x1] =	stream.indirect_vreg.gather @!p0 [hbm4b:s5+s25], $0x80, v3, vm1, $0xb8;
	[tilespmem:$0xC380] =	vst v63  }
0x9d: {  	s26 =	simm.s32 @!p0 $0x2B80  }
0x9e: {  	[tilespmem:s26], [sflag:$0x1] =	stream.indirect_vreg.gather @!p0 [hbm4b:s6+s25], $0x80, v3, vm1, $0xb8;
	[tilespmem:$0xC380] =	vst v63  }
0x9f: {  	_ =	swait.ge [sflag:s15], $0x3000  }
0xa0: {  	[sflag:s15] =	ssyncset.done $0x0  }
.Ltmp2:
0xa1: {  	s26 =	sadd.s32 s24, s10;
	[sflag:s15] =	ssyncadd.s32 $0xFFFFD000;
	(pc) =	sbr.rel @p0 .LBB2_4-.Ltmp2, $4  }
0xa2: {  	[hbm4b:s26+s3] =	stream.linear.scatter [tilespmem:s16], [sflag:$0x8], $0x3000, $0x38;
	[tilespmem:$0xC380] =	vst v63  }
0xa3: {  	_ =	swait.ge [sflag:s22], $0x3000  }
0xa4: {  	[sflag:s22] =	ssyncset.done $0x0  }
0xa5: {  	[sflag:s22] =	ssyncadd.s32 $0xFFFFD000  }
0xa6: {  	v3 =	vld [tilespmem:s23+$0x20];
	_ =	sdelay $0x4  }
0xa7: {  	v4 =	vshrl.u32 v3, $0x3  }
0xa8: {  	v4 =	vmul.u32 $0x30, v4  }
0xa9: {  	v3 =	vand.u32 $0x7, v3  }
0xaa: {  	v3 =	vor.u32 v3, v4  }
0xab: {  	v4 =	vperm.xlane v3, v0;
	_ =	sdelay $0x1  }
0xac: {  	v4 =	vadd.s32 v1, v4;
	_ =	sdelay $0x3  }
0xad: {  	v3 =	vperm.xlane v3, v2  }
0xae: {  	[tilespmem:s21], [sflag:$0x2] =	stream.indirect_vreg.gather [hbm4b:s1+s3], $0x80, v4, vm0, $0xb8;
	[tilespmem:$0xC380] =	vst v63  }
0xaf: {  	s25 =	simm.s32 $0x3B80;
	v3 =	vadd.s32 v1, v3  }
0xb0: {  	[tilespmem:s25], [sflag:$0x2] =	stream.indirect_vreg.gather [hbm4b:s5+s3], $0x80, v4, vm0, $0xb8;
	[tilespmem:$0xC380] =	vst v63  }
0xb1: {  	s26 =	simm.s32 $0x4380  }
0xb2: {  	[tilespmem:s26], [sflag:$0x2] =	stream.indirect_vreg.gather [hbm4b:s6+s3], $0x80, v4, vm0, $0xb8;
	[tilespmem:$0xC380] =	vst v63  }
0xb3: {  	s26 =	simm.s32 $0x4B80  }
0xb4: {  	[tilespmem:s26], [sflag:$0x2] =	stream.indirect_vreg.gather [hbm4b:s1+s3], $0x80, v3, vm0, $0xb8;
	[tilespmem:$0xC380] =	vst v63  }
.Ltmp3:
0xb5: {  	_ = 	snop;
	(pc) =	sbr.rel .LBB2_2-.Ltmp3, $4  }
0xb6: {  	s26 =	simm.s32 $0x5380  }
0xb7: {  	[tilespmem:s26], [sflag:$0x2] =	stream.indirect_vreg.gather [hbm4b:s5+s3], $0x80, v3, vm0, $0xb8;
	[tilespmem:$0xC380] =	vst v63  }
0xb8: {  	s24 =	sadd.s32 $0x30000, s24;
	s23 =	sadd.s32 $0x40, s23;
	s26 =	simm.s32 $0x5B80  }
0xb9: {  	[tilespmem:s26], [sflag:$0x2] =	stream.indirect_vreg.gather [hbm4b:s6+s3], $0x80, v3, vm0, $0xb8;
	[tilespmem:$0xC380] =	vst v63  }
.LBB2_5:
0xba: {  	_ =	sfence.sel $0x180000  }
0xbb: {  	[bflag:$0x0] =	sbarrier.arrive $0xFFFF  }
0xbc: {  	_ =	strace $0x9000004A  }
0xbd: {  	s0 =	stileid.u32;
	[bflag:$0x2] =	sbarrier.arrive $0xFFFF  }
0xbe: {  	p0 =	sne.s32 s0, $0x0;
	s0 =	rddreg [dreg:$0x3]  }
0xbf: {  	s0 =	sadd.s32 @!p0 $0x100000, s0  }
0xc0: {  	[sflag:s0] =	ssyncadd.tile.s32 @!p0 $0x1;
	_ =	shalt  }
.Lfunc_end2:
_tile_overlayer_lowered:
.L_overlay_start_2:
0xc1: {  	(tag) =	ssettag $0x2  }
0xc2: {  	s0 =	rddreg [dreg:$0x0];
	s2 =	stileid.u32  }
0xc3: {  	s1 =	rddreg [dreg:$0x1];
	p0 =	sne.s32 s2, $0x0  }
0xc4: {  	s3 =	rddreg [dreg:$0x2];
	[bflag:$0x3] =	sbarrier.arrive $0xFFFF;
	s2 =	simm.s32 @!p0 $0x1C09  }
0xc5: {  	[timem:s3], [sflag:s2] =	dma.local @!p0 [hbm:s0], s1  }
0xc6: {  	s0 =	simm.s32 @!p0 $0x9  }
0xc7: {  	_ =	swait.ge @!p0 [sflag:s0], s1  }
0xc8: {  	s1 =	ssub.s32 @!p0 $0x0, s1;
	[sflag:s0] =	ssyncset.done @!p0 $0x0  }
0xc9: {  	[sflag:s0] =	ssyncadd.s32 @!p0 s1  }
0xca: {  	[bflag:$0x3] =	sbarrier.arrive $0xFFFF  }
0xcb: {  	_ =	shalt  }

</sc_bundles>
